<compile_context>
chip_gen: v7x
topology: tpu7x:2x2x1
jax: 0.10.2.dev20260603
libtpu: 0.0.44.dev20260713+nightly
codegen_flags: <defaults>
</compile_context>

<pallas_src>
import functools

import jax
import jax.numpy as jnp
from jax import lax
from jax.experimental import pallas as pl
from jax.experimental.pallas import tpu as pltpu
from jax.experimental.pallas import tpu_sc as plsc

_TOP_K = 2
_ROUTED_SCALING = 2.5
_TILE = 256


def _sc_row_gather(table, idx, n_rows):
    info = plsc.get_sparse_core_info()
    nw = info.num_cores * info.num_subcores
    b_per_w = n_rows // nw
    _, d = table.shape
    budget = 126976 // (2 * d)
    chunk = next(c for c in range(min(budget, b_per_w), 0, -1)
                 if b_per_w % c == 0)
    n_chunks = b_per_w // chunk
    mesh = plsc.VectorSubcoreMesh(core_axis_name="c", subcore_axis_name="s")

    @functools.partial(
        pl.kernel, mesh=mesh,
        out_type=jax.ShapeDtypeStruct((n_rows, d), table.dtype),
        scratch_types=[
            pltpu.VMEM((chunk,), jnp.int32),
            pltpu.VMEM((chunk,), jnp.int32),
            pltpu.VMEM((chunk, d), table.dtype),
            pltpu.VMEM((chunk, d), table.dtype),
            pltpu.SemaphoreType.DMA,
            pltpu.SemaphoreType.DMA,
        ],
    )
    def gather_kernel(tbl_hbm, idx_hbm, out_hbm, i0, i1, b0, b1, s0, s1):
        wid = lax.axis_index("s") * info.num_cores + lax.axis_index("c")
        base = wid * b_per_w
        idx_v = (i0, i1)
        bufs = (b0, b1)
        sems = (s0, s1)

        def start(c):
            k = c % 2
            pltpu.sync_copy(idx_hbm.at[pl.ds(base + c * chunk, chunk)],
                            idx_v[k])
            return pltpu.async_copy(tbl_hbm.at[idx_v[k]], bufs[k], sems[k])

        cp = start(0)
        for c in range(n_chunks):
            nxt = start(c + 1) if c + 1 < n_chunks else None
            cp.wait()
            pltpu.sync_copy(bufs[c % 2],
                            out_hbm.at[pl.ds(base + c * chunk, chunk)])
            cp = nxt

    return gather_kernel(table, idx)


def _moe_tile_kernel(te_ref, x_ref, wg_ref, wu_ref, wd_ref, o_ref):
    x = x_ref[...].astype(jnp.bfloat16)
    g = jnp.dot(x, wg_ref[0], preferred_element_type=jnp.float32)
    u = jnp.dot(x, wu_ref[0], preferred_element_type=jnp.float32)
    h = (g * jax.nn.sigmoid(g)) * u
    o_ref[...] = jnp.dot(h.astype(jnp.bfloat16), wd_ref[0],
                         preferred_element_type=jnp.float32)


def _shared_tile_kernel(x_ref, sg_ref, su_ref, sd_ref, o_ref):
    x = x_ref[...].astype(jnp.bfloat16)
    g = jnp.dot(x, sg_ref[...], preferred_element_type=jnp.float32)
    u = jnp.dot(x, su_ref[...], preferred_element_type=jnp.float32)
    h = (g * jax.nn.sigmoid(g)) * u
    o_ref[...] = jnp.dot(h.astype(jnp.bfloat16), sd_ref[...],
                         preferred_element_type=jnp.float32)


def kernel(hidden_states, gate_weight, gate_bias, all_gate_proj,
           all_up_proj, all_down_proj, shared_gate, shared_up, shared_down):
    orig_shape = hidden_states.shape
    D = orig_shape[-1]
    h = hidden_states.reshape(-1, D)
    T = h.shape[0]
    E, _, F = all_gate_proj.shape
    FS = shared_gate.shape[1]
    P = T * _TOP_K

    scores = jax.nn.sigmoid(h @ gate_weight)
    _, topk_idx = jax.lax.top_k(scores + gate_bias[None, :], _TOP_K)
    topk_w = jnp.take_along_axis(scores, topk_idx, axis=1)
    topk_w = topk_w / (jnp.sum(topk_w, axis=-1, keepdims=True) + 1e-20)
    topk_w = topk_w * _ROUTED_SCALING

    e_flat = topk_idx.reshape(-1).astype(jnp.int32)
    onehot_t = (e_flat[None, :] == jnp.arange(E, dtype=jnp.int32)[:, None]
                ).astype(jnp.int32)
    cum_t = jnp.cumsum(onehot_t, axis=1)
    rank = jnp.take_along_axis(cum_t, e_flat[None, :], axis=0)[0] - 1
    gsz = cum_t[:, -1]

    max_tiles = P // _TILE + E
    npad = max_tiles * _TILE

    nt = (gsz + _TILE - 1) // _TILE
    nt_cum = jnp.cumsum(nt)
    pad_base = (nt_cum - nt) * _TILE
    tile_expert = jnp.minimum(
        jnp.searchsorted(nt_cum, jnp.arange(max_tiles, dtype=jnp.int32),
                         side='right'),
        E - 1).astype(jnp.int32)

    dest = pad_base[e_flat] + rank
    slot_token = jnp.arange(npad, dtype=jnp.int32) % T
    tok_of_pair = jnp.arange(P, dtype=jnp.int32) // _TOP_K
    slot_token = slot_token.at[dest].set(tok_of_pair)

    x_pad = _sc_row_gather(h, slot_token, npad)
    wg = all_gate_proj.astype(jnp.bfloat16)
    wu = all_up_proj.astype(jnp.bfloat16)
    wd = all_down_proj.astype(jnp.bfloat16)

    shared_out = pl.pallas_call(
        _shared_tile_kernel,
        grid=(T // _TILE,),
        in_specs=[
            pl.BlockSpec((_TILE, D), lambda i: (i, 0)),
            pl.BlockSpec((D, FS), lambda i: (0, 0)),
            pl.BlockSpec((D, FS), lambda i: (0, 0)),
            pl.BlockSpec((FS, D), lambda i: (0, 0)),
        ],
        out_specs=pl.BlockSpec((_TILE, D), lambda i: (i, 0)),
        out_shape=jax.ShapeDtypeStruct((T, D), jnp.float32),
    )(h, shared_gate.astype(jnp.bfloat16),
      shared_up.astype(jnp.bfloat16), shared_down.astype(jnp.bfloat16))

    grid_spec = pltpu.PrefetchScalarGridSpec(
        num_scalar_prefetch=1,
        grid=(max_tiles,),
        in_specs=[
            pl.BlockSpec((_TILE, D), lambda i, te: (i, 0)),
            pl.BlockSpec((1, D, F), lambda i, te: (te[i], 0, 0)),
            pl.BlockSpec((1, D, F), lambda i, te: (te[i], 0, 0)),
            pl.BlockSpec((1, F, D), lambda i, te: (te[i], 0, 0)),
        ],
        out_specs=pl.BlockSpec((_TILE, D), lambda i, te: (i, 0)),
    )
    y_pad = pl.pallas_call(
        _moe_tile_kernel,
        grid_spec=grid_spec,
        out_shape=jax.ShapeDtypeStruct((npad, D), jnp.float32),
    )(tile_expert, x_pad, wg, wu, wd)

    dest_km = dest.reshape(T, _TOP_K).T.reshape(P)
    y_routed = _sc_row_gather(y_pad, dest_km, P).reshape(_TOP_K, T, D)
    w_km = topk_w.T
    out = shared_out + jnp.sum(w_km[:, :, None] * y_routed, axis=0)
    return out.reshape(orig_shape)

# --- scband reference (transcript-rebuilt; emitter-appended) ---
"""Pipeline reference for scband-qeff-prefill-only-deepseek-v3-mo-e-23871428231439 (READ-ONLY COPY).

The authoritative reference and input builder live on the scoring server;
editing this copy changes nothing except your own understanding.
"""

import jax, jax.numpy as jnp
import numpy as np

B, S, D = 1, 2048, 1024
E, F = 8, 512
FS = 1024
TOP_K = 2
ROUTED_SCALING = 2.5


def setup_inputs(seed: int = 0) -> dict:
    key = jax.random.key(seed)
    ks = jax.random.split(key, 9)
    hidden_states = jax.random.normal(ks[0], (B, S, D), dtype=jnp.float32) * 0.02
    gate_weight = jax.random.normal(ks[1], (D, E), dtype=jnp.float32) * 0.02
    gate_bias = jax.random.normal(ks[2], (E,), dtype=jnp.float32) * 0.01
    all_gate_proj = jax.random.normal(ks[3], (E, D, F), dtype=jnp.float32) * 0.02
    all_up_proj = jax.random.normal(ks[4], (E, D, F), dtype=jnp.float32) * 0.02
    all_down_proj = jax.random.normal(ks[5], (E, F, D), dtype=jnp.float32) * 0.02
    shared_gate = jax.random.normal(ks[6], (D, FS), dtype=jnp.float32) * 0.02
    shared_up = jax.random.normal(ks[7], (D, FS), dtype=jnp.float32) * 0.02
    shared_down = jax.random.normal(ks[8], (FS, D), dtype=jnp.float32) * 0.02
    return {
        "hidden_states": hidden_states,
        "gate_weight": gate_weight,
        "gate_bias": gate_bias,
        "all_gate_proj": all_gate_proj,
        "all_up_proj": all_up_proj,
        "all_down_proj": all_down_proj,
        "shared_gate": shared_gate,
        "shared_up": shared_up,
        "shared_down": shared_down,
    }


def reference(hidden_states, gate_weight, gate_bias, all_gate_proj, all_up_proj, all_down_proj, shared_gate, shared_up, shared_down):
    residuals = hidden_states
    orig_shape = hidden_states.shape
    d_model = orig_shape[-1]
    num_experts = all_gate_proj.shape[0]

    h = hidden_states.reshape(-1, d_model)
    T = h.shape[0]

    # DeepseekV3 gate: sigmoid scores, bias-corrected top-k selection,
    # weights gathered from raw scores, normalized and scaled.
    scores = jax.nn.sigmoid(h @ gate_weight)
    scores_for_choice = scores + gate_bias[None, :]
    _, topk_indices = jax.lax.top_k(scores_for_choice, TOP_K)
    topk_weights = jnp.take_along_axis(scores, topk_indices, axis=1)
    topk_weights = topk_weights / (jnp.sum(topk_weights, axis=-1, keepdims=True) + 1e-20)
    topk_weights = topk_weights * ROUTED_SCALING

    # mask.scatter_(1, topk_indices, topk_weights)
    mask = jnp.zeros((T, num_experts), dtype=topk_weights.dtype)
    mask = mask.at[jnp.arange(T)[:, None], topk_indices].set(topk_weights)

    # Dense prefill-only MoE: every token through every expert, weighted by mask.
    final_hidden_states = jnp.zeros_like(h)
    for expert_idx in range(num_experts):
        gate_out = h @ all_gate_proj[expert_idx]
        up_out = h @ all_up_proj[expert_idx]
        hidden = jax.nn.silu(gate_out) * up_out
        expert_output = hidden @ all_down_proj[expert_idx]
        final_hidden_states = final_hidden_states + expert_output * mask[:, expert_idx][:, None]

    moe_out = final_hidden_states.reshape(orig_shape)

    # Shared experts (SwiGLU MLP) on residual stream.
    shared_hidden = jax.nn.silu(residuals @ shared_gate) * (residuals @ shared_up)
    shared_out = shared_hidden @ shared_down

    return moe_out + shared_out

if __name__ == "__main__":
    import jax
    _d = setup_inputs()
    print(jax.jit(kernel)(*tuple(_d.values())))

</pallas_src>

<mosaic_0001>
#map = affine_map<(d0, d1) -> (0, 0)>
#map1 = affine_map<(d0, d1) -> (0)>
module attributes {stable_mosaic.version = 14 : i64} {
  func.func @gather_kernel(%arg0: i32, %arg1: i32, %arg2: memref<2048x1024xf32, #tpu.memory_space<hbm>>, %arg3: memref<6144xi32, #tpu.memory_space<hbm>>, %arg4: memref<6144x1024xf32, #tpu.memory_space<hbm>>, %arg5: memref<48xi32, #tpu.memory_space<vmem>>, %arg6: memref<48xi32, #tpu.memory_space<vmem>>, %arg7: memref<48x1024xf32, #tpu.memory_space<vmem>>, %arg8: memref<48x1024xf32, #tpu.memory_space<vmem>>, %arg9: memref<!tpu.dma_semaphore, #tpu.memory_space<semaphore_mem>>, %arg10: memref<!tpu.dma_semaphore, #tpu.memory_space<semaphore_mem>>) attributes {dimension_semantics = [#tpu.dimension_semantics<core_parallel>, #tpu.dimension_semantics<subcore_parallel>], iteration_bounds = array<i64: 2, 16>, scalar_prefetch = 0 : i64, scratch_operands = 6 : i64, tpu.core_type = #tpu.core_type<sc_vector_subcore>, window_params = [{transform_indices = #map}, {transform_indices = #map1}, {transform_indices = #map}]} {
    %mul3A = arith.constant 2 : i32
    %mul3A_0 = arith.muli %arg1, %mul3A : i32
    %add3A = arith.addi %mul3A_0, %arg0 : i32
    %mul3A_1 = arith.constant 192 : i32
    %mul3A_2 = arith.muli %add3A, %mul3A_1 : i32
    %add3A_3 = arith.constant 0 : i32
    %add3A_4 = arith.addi %mul3A_2, %add3A_3 : i32
    "tpu.region"() ({
      %run_scoped3A = tpu.sem_alloc : memref<!tpu.dma_semaphore, #tpu.memory_space<semaphore_mem>>
      %dma_start3A_41 = tpu.memref_slice %arg3[%add3A_4] : memref<6144xi32, #tpu.memory_space<hbm>> -> memref<48xi32, #tpu.memory_space<hbm>>
      %dma_start3A_42 = tpu.memref_slice %arg3[%add3A_4] : memref<6144xi32, #tpu.memory_space<hbm>> -> memref<48xi32, #tpu.memory_space<hbm>>
      tpu.enqueue_dma source(%dma_start3A_42 : memref<48xi32, #tpu.memory_space<hbm>>) target(%arg5 : memref<48xi32, #tpu.memory_space<vmem>>) target_semaphore(%run_scoped3A : memref<!tpu.dma_semaphore, #tpu.memory_space<semaphore_mem>>)
      %dma_wait3A_43 = tpu.memref_slice %arg3[%add3A_4] : memref<6144xi32, #tpu.memory_space<hbm>> -> memref<48xi32, #tpu.memory_space<hbm>>
      %dma_wait3A_44 = tpu.memref_slice %arg3[%add3A_4] : memref<6144xi32, #tpu.memory_space<hbm>> -> memref<48xi32, #tpu.memory_space<hbm>>
      tpu.wait_dma2 semaphore(%run_scoped3A : memref<!tpu.dma_semaphore, #tpu.memory_space<semaphore_mem>>) src(%dma_wait3A_44 : memref<48xi32, #tpu.memory_space<hbm>>) dst(%arg5 : memref<48xi32, #tpu.memory_space<vmem>>)
      tpu.yield
    }) : () -> ()
    %dma_start3A = arith.constant 0 : i32
    %dma_start3A_5 = arith.constant 0 : i32
    %dma_start3A_6 = tpu.memref_slice %arg2[%dma_start3A, %dma_start3A_5] : memref<2048x1024xf32, #tpu.memory_space<hbm>> -> memref<2048x1024xf32, #tpu.memory_space<hbm>>
    tpu.enqueue_indirect_dma source(%dma_start3A_6 : memref<2048x1024xf32, #tpu.memory_space<hbm>>) target(%arg7 : memref<48x1024xf32, #tpu.memory_space<vmem>>) offsets(%arg5 : memref<48xi32, #tpu.memory_space<vmem>>) semaphore(%arg9 : memref<!tpu.dma_semaphore, #tpu.memory_space<semaphore_mem>>)
    %add3A_7 = arith.constant 48 : i32
    %add3A_8 = arith.addi %mul3A_2, %add3A_7 : i32
    "tpu.region"() ({
      %run_scoped3A = tpu.sem_alloc : memref<!tpu.dma_semaphore, #tpu.memory_space<semaphore_mem>>
      %dma_start3A_41 = tpu.memref_slice %arg3[%add3A_8] : memref<6144xi32, #tpu.memory_space<hbm>> -> memref<48xi32, #tpu.memory_space<hbm>>
      %dma_start3A_42 = tpu.memref_slice %arg3[%add3A_8] : memref<6144xi32, #tpu.memory_space<hbm>> -> memref<48xi32, #tpu.memory_space<hbm>>
      tpu.enqueue_dma source(%dma_start3A_42 : memref<48xi32, #tpu.memory_space<hbm>>) target(%arg6 : memref<48xi32, #tpu.memory_space<vmem>>) target_semaphore(%run_scoped3A : memref<!tpu.dma_semaphore, #tpu.memory_space<semaphore_mem>>)
      %dma_wait3A_43 = tpu.memref_slice %arg3[%add3A_8] : memref<6144xi32, #tpu.memory_space<hbm>> -> memref<48xi32, #tpu.memory_space<hbm>>
      %dma_wait3A_44 = tpu.memref_slice %arg3[%add3A_8] : memref<6144xi32, #tpu.memory_space<hbm>> -> memref<48xi32, #tpu.memory_space<hbm>>
      tpu.wait_dma2 semaphore(%run_scoped3A : memref<!tpu.dma_semaphore, #tpu.memory_space<semaphore_mem>>) src(%dma_wait3A_44 : memref<48xi32, #tpu.memory_space<hbm>>) dst(%arg6 : memref<48xi32, #tpu.memory_space<vmem>>)
      tpu.yield
    }) : () -> ()
    %dma_start3A_9 = arith.constant 0 : i32
    %dma_start3A_10 = arith.constant 0 : i32
    %dma_start3A_11 = tpu.memref_slice %arg2[%dma_start3A_9, %dma_start3A_10] : memref<2048x1024xf32, #tpu.memory_space<hbm>> -> memref<2048x1024xf32, #tpu.memory_space<hbm>>
    tpu.enqueue_indirect_dma source(%dma_start3A_11 : memref<2048x1024xf32, #tpu.memory_space<hbm>>) target(%arg8 : memref<48x1024xf32, #tpu.memory_space<vmem>>) offsets(%arg6 : memref<48xi32, #tpu.memory_space<vmem>>) semaphore(%arg10 : memref<!tpu.dma_semaphore, #tpu.memory_space<semaphore_mem>>)
    %dma_wait3A = arith.constant 0 : i32
    %dma_wait3A_12 = arith.constant 0 : i32
    %dma_wait3A_13 = tpu.memref_slice %arg2[%dma_wait3A, %dma_wait3A_12] : memref<2048x1024xf32, #tpu.memory_space<hbm>> -> memref<2048x1024xf32, #tpu.memory_space<hbm>>
    tpu.wait_indirect_dma semaphore(%arg9 : memref<!tpu.dma_semaphore, #tpu.memory_space<semaphore_mem>>) src(%dma_wait3A_13 : memref<2048x1024xf32, #tpu.memory_space<hbm>>) dst(%arg7 : memref<48x1024xf32, #tpu.memory_space<vmem>>)
    %add3A_14 = arith.constant 0 : i32
    %add3A_15 = arith.addi %mul3A_2, %add3A_14 : i32
    "tpu.region"() ({
      %run_scoped3A = tpu.sem_alloc : memref<!tpu.dma_semaphore, #tpu.memory_space<semaphore_mem>>
      %dma_start3A_41 = arith.constant 0 : i32
      %dma_start3A_42 = tpu.memref_slice %arg4[%add3A_15, %dma_start3A_41] : memref<6144x1024xf32, #tpu.memory_space<hbm>> -> memref<48x1024xf32, #tpu.memory_space<hbm>>
      %dma_start3A_43 = arith.constant 0 : i32
      %dma_start3A_44 = tpu.memref_slice %arg4[%add3A_15, %dma_start3A_43] : memref<6144x1024xf32, #tpu.memory_space<hbm>> -> memref<48x1024xf32, #tpu.memory_space<hbm>>
      tpu.enqueue_dma source(%arg7 : memref<48x1024xf32, #tpu.memory_space<vmem>>) target(%dma_start3A_44 : memref<48x1024xf32, #tpu.memory_space<hbm>>) target_semaphore(%run_scoped3A : memref<!tpu.dma_semaphore, #tpu.memory_space<semaphore_mem>>)
      %dma_wait3A_45 = arith.constant 0 : i32
      %dma_wait3A_46 = tpu.memref_slice %arg4[%add3A_15, %dma_wait3A_45] : memref<6144x1024xf32, #tpu.memory_space<hbm>> -> memref<48x1024xf32, #tpu.memory_space<hbm>>
      %dma_wait3A_47 = arith.constant 0 : i32
      %dma_wait3A_48 = tpu.memref_slice %arg4[%add3A_15, %dma_wait3A_47] : memref<6144x1024xf32, #tpu.memory_space<hbm>> -> memref<48x1024xf32, #tpu.memory_space<hbm>>
      tpu.wait_dma2 semaphore(%run_scoped3A : memref<!tpu.dma_semaphore, #tpu.memory_space<semaphore_mem>>) src(%arg7 : memref<48x1024xf32, #tpu.memory_space<vmem>>) dst(%dma_wait3A_48 : memref<48x1024xf32, #tpu.memory_space<hbm>>)
      tpu.yield
    }) : () -> ()
    %add3A_16 = arith.constant 96 : i32
    %add3A_17 = arith.addi %mul3A_2, %add3A_16 : i32
    "tpu.region"() ({
      %run_scoped3A = tpu.sem_alloc : memref<!tpu.dma_semaphore, #tpu.memory_space<semaphore_mem>>
      %dma_start3A_41 = tpu.memref_slice %arg3[%add3A_17] : memref<6144xi32, #tpu.memory_space<hbm>> -> memref<48xi32, #tpu.memory_space<hbm>>
      %dma_start3A_42 = tpu.memref_slice %arg3[%add3A_17] : memref<6144xi32, #tpu.memory_space<hbm>> -> memref<48xi32, #tpu.memory_space<hbm>>
      tpu.enqueue_dma source(%dma_start3A_42 : memref<48xi32, #tpu.memory_space<hbm>>) target(%arg5 : memref<48xi32, #tpu.memory_space<vmem>>) target_semaphore(%run_scoped3A : memref<!tpu.dma_semaphore, #tpu.memory_space<semaphore_mem>>)
      %dma_wait3A_43 = tpu.memref_slice %arg3[%add3A_17] : memref<6144xi32, #tpu.memory_space<hbm>> -> memref<48xi32, #tpu.memory_space<hbm>>
      %dma_wait3A_44 = tpu.memref_slice %arg3[%add3A_17] : memref<6144xi32, #tpu.memory_space<hbm>> -> memref<48xi32, #tpu.memory_space<hbm>>
      tpu.wait_dma2 semaphore(%run_scoped3A : memref<!tpu.dma_semaphore, #tpu.memory_space<semaphore_mem>>) src(%dma_wait3A_44 : memref<48xi32, #tpu.memory_space<hbm>>) dst(%arg5 : memref<48xi32, #tpu.memory_space<vmem>>)
      tpu.yield
    }) : () -> ()
    %dma_start3A_18 = arith.constant 0 : i32
    %dma_start3A_19 = arith.constant 0 : i32
    %dma_start3A_20 = tpu.memref_slice %arg2[%dma_start3A_18, %dma_start3A_19] : memref<2048x1024xf32, #tpu.memory_space<hbm>> -> memref<2048x1024xf32, #tpu.memory_space<hbm>>
    tpu.enqueue_indirect_dma source(%dma_start3A_20 : memref<2048x1024xf32, #tpu.memory_space<hbm>>) target(%arg7 : memref<48x1024xf32, #tpu.memory_space<vmem>>) offsets(%arg5 : memref<48xi32, #tpu.memory_space<vmem>>) semaphore(%arg9 : memref<!tpu.dma_semaphore, #tpu.memory_space<semaphore_mem>>)
    %dma_wait3A_21 = arith.constant 0 : i32
    %dma_wait3A_22 = arith.constant 0 : i32
    %dma_wait3A_23 = tpu.memref_slice %arg2[%dma_wait3A_21, %dma_wait3A_22] : memref<2048x1024xf32, #tpu.memory_space<hbm>> -> memref<2048x1024xf32, #tpu.memory_space<hbm>>
    tpu.wait_indirect_dma semaphore(%arg10 : memref<!tpu.dma_semaphore, #tpu.memory_space<semaphore_mem>>) src(%dma_wait3A_23 : memref<2048x1024xf32, #tpu.memory_space<hbm>>) dst(%arg8 : memref<48x1024xf32, #tpu.memory_space<vmem>>)
    %add3A_24 = arith.constant 48 : i32
    %add3A_25 = arith.addi %mul3A_2, %add3A_24 : i32
    "tpu.region"() ({
      %run_scoped3A = tpu.sem_alloc : memref<!tpu.dma_semaphore, #tpu.memory_space<semaphore_mem>>
      %dma_start3A_41 = arith.constant 0 : i32
      %dma_start3A_42 = tpu.memref_slice %arg4[%add3A_25, %dma_start3A_41] : memref<6144x1024xf32, #tpu.memory_space<hbm>> -> memref<48x1024xf32, #tpu.memory_space<hbm>>
      %dma_start3A_43 = arith.constant 0 : i32
      %dma_start3A_44 = tpu.memref_slice %arg4[%add3A_25, %dma_start3A_43] : memref<6144x1024xf32, #tpu.memory_space<hbm>> -> memref<48x1024xf32, #tpu.memory_space<hbm>>
      tpu.enqueue_dma source(%arg8 : memref<48x1024xf32, #tpu.memory_space<vmem>>) target(%dma_start3A_44 : memref<48x1024xf32, #tpu.memory_space<hbm>>) target_semaphore(%run_scoped3A : memref<!tpu.dma_semaphore, #tpu.memory_space<semaphore_mem>>)
      %dma_wait3A_45 = arith.constant 0 : i32
      %dma_wait3A_46 = tpu.memref_slice %arg4[%add3A_25, %dma_wait3A_45] : memref<6144x1024xf32, #tpu.memory_space<hbm>> -> memref<48x1024xf32, #tpu.memory_space<hbm>>
      %dma_wait3A_47 = arith.constant 0 : i32
      %dma_wait3A_48 = tpu.memref_slice %arg4[%add3A_25, %dma_wait3A_47] : memref<6144x1024xf32, #tpu.memory_space<hbm>> -> memref<48x1024xf32, #tpu.memory_space<hbm>>
      tpu.wait_dma2 semaphore(%run_scoped3A : memref<!tpu.dma_semaphore, #tpu.memory_space<semaphore_mem>>) src(%arg8 : memref<48x1024xf32, #tpu.memory_space<vmem>>) dst(%dma_wait3A_48 : memref<48x1024xf32, #tpu.memory_space<hbm>>)
      tpu.yield
    }) : () -> ()
    %add3A_26 = arith.constant 144 : i32
    %add3A_27 = arith.addi %mul3A_2, %add3A_26 : i32
    "tpu.region"() ({
      %run_scoped3A = tpu.sem_alloc : memref<!tpu.dma_semaphore, #tpu.memory_space<semaphore_mem>>
      %dma_start3A_41 = tpu.memref_slice %arg3[%add3A_27] : memref<6144xi32, #tpu.memory_space<hbm>> -> memref<48xi32, #tpu.memory_space<hbm>>
      %dma_start3A_42 = tpu.memref_slice %arg3[%add3A_27] : memref<6144xi32, #tpu.memory_space<hbm>> -> memref<48xi32, #tpu.memory_space<hbm>>
      tpu.enqueue_dma source(%dma_start3A_42 : memref<48xi32, #tpu.memory_space<hbm>>) target(%arg6 : memref<48xi32, #tpu.memory_space<vmem>>) target_semaphore(%run_scoped3A : memref<!tpu.dma_semaphore, #tpu.memory_space<semaphore_mem>>)
      %dma_wait3A_43 = tpu.memref_slice %arg3[%add3A_27] : memref<6144xi32, #tpu.memory_space<hbm>> -> memref<48xi32, #tpu.memory_space<hbm>>
      %dma_wait3A_44 = tpu.memref_slice %arg3[%add3A_27] : memref<6144xi32, #tpu.memory_space<hbm>> -> memref<48xi32, #tpu.memory_space<hbm>>
      tpu.wait_dma2 semaphore(%run_scoped3A : memref<!tpu.dma_semaphore, #tpu.memory_space<semaphore_mem>>) src(%dma_wait3A_44 : memref<48xi32, #tpu.memory_space<hbm>>) dst(%arg6 : memref<48xi32, #tpu.memory_space<vmem>>)
      tpu.yield
    }) : () -> ()
    %dma_start3A_28 = arith.constant 0 : i32
    %dma_start3A_29 = arith.constant 0 : i32
    %dma_start3A_30 = tpu.memref_slice %arg2[%dma_start3A_28, %dma_start3A_29] : memref<2048x1024xf32, #tpu.memory_space<hbm>> -> memref<2048x1024xf32, #tpu.memory_space<hbm>>
    tpu.enqueue_indirect_dma source(%dma_start3A_30 : memref<2048x1024xf32, #tpu.memory_space<hbm>>) target(%arg8 : memref<48x1024xf32, #tpu.memory_space<vmem>>) offsets(%arg6 : memref<48xi32, #tpu.memory_space<vmem>>) semaphore(%arg10 : memref<!tpu.dma_semaphore, #tpu.memory_space<semaphore_mem>>)
    %dma_wait3A_31 = arith.constant 0 : i32
    %dma_wait3A_32 = arith.constant 0 : i32
    %dma_wait3A_33 = tpu.memref_slice %arg2[%dma_wait3A_31, %dma_wait3A_32] : memref<2048x1024xf32, #tpu.memory_space<hbm>> -> memref<2048x1024xf32, #tpu.memory_space<hbm>>
    tpu.wait_indirect_dma semaphore(%arg9 : memref<!tpu.dma_semaphore, #tpu.memory_space<semaphore_mem>>) src(%dma_wait3A_33 : memref<2048x1024xf32, #tpu.memory_space<hbm>>) dst(%arg7 : memref<48x1024xf32, #tpu.memory_space<vmem>>)
    %add3A_34 = arith.constant 96 : i32
    %add3A_35 = arith.addi %mul3A_2, %add3A_34 : i32
    "tpu.region"() ({
      %run_scoped3A = tpu.sem_alloc : memref<!tpu.dma_semaphore, #tpu.memory_space<semaphore_mem>>
      %dma_start3A_41 = arith.constant 0 : i32
      %dma_start3A_42 = tpu.memref_slice %arg4[%add3A_35, %dma_start3A_41] : memref<6144x1024xf32, #tpu.memory_space<hbm>> -> memref<48x1024xf32, #tpu.memory_space<hbm>>
      %dma_start3A_43 = arith.constant 0 : i32
      %dma_start3A_44 = tpu.memref_slice %arg4[%add3A_35, %dma_start3A_43] : memref<6144x1024xf32, #tpu.memory_space<hbm>> -> memref<48x1024xf32, #tpu.memory_space<hbm>>
      tpu.enqueue_dma source(%arg7 : memref<48x1024xf32, #tpu.memory_space<vmem>>) target(%dma_start3A_44 : memref<48x1024xf32, #tpu.memory_space<hbm>>) target_semaphore(%run_scoped3A : memref<!tpu.dma_semaphore, #tpu.memory_space<semaphore_mem>>)
      %dma_wait3A_45 = arith.constant 0 : i32
      %dma_wait3A_46 = tpu.memref_slice %arg4[%add3A_35, %dma_wait3A_45] : memref<6144x1024xf32, #tpu.memory_space<hbm>> -> memref<48x1024xf32, #tpu.memory_space<hbm>>
      %dma_wait3A_47 = arith.constant 0 : i32
      %dma_wait3A_48 = tpu.memref_slice %arg4[%add3A_35, %dma_wait3A_47] : memref<6144x1024xf32, #tpu.memory_space<hbm>> -> memref<48x1024xf32, #tpu.memory_space<hbm>>
      tpu.wait_dma2 semaphore(%run_scoped3A : memref<!tpu.dma_semaphore, #tpu.memory_space<semaphore_mem>>) src(%arg7 : memref<48x1024xf32, #tpu.memory_space<vmem>>) dst(%dma_wait3A_48 : memref<48x1024xf32, #tpu.memory_space<hbm>>)
      tpu.yield
    }) : () -> ()
    %dma_wait3A_36 = arith.constant 0 : i32
    %dma_wait3A_37 = arith.constant 0 : i32
    %dma_wait3A_38 = tpu.memref_slice %arg2[%dma_wait3A_36, %dma_wait3A_37] : memref<2048x1024xf32, #tpu.memory_space<hbm>> -> memref<2048x1024xf32, #tpu.memory_space<hbm>>
    tpu.wait_indirect_dma semaphore(%arg10 : memref<!tpu.dma_semaphore, #tpu.memory_space<semaphore_mem>>) src(%dma_wait3A_38 : memref<2048x1024xf32, #tpu.memory_space<hbm>>) dst(%arg8 : memref<48x1024xf32, #tpu.memory_space<vmem>>)
    %add3A_39 = arith.constant 144 : i32
    %add3A_40 = arith.addi %mul3A_2, %add3A_39 : i32
    "tpu.region"() ({
      %run_scoped3A = tpu.sem_alloc : memref<!tpu.dma_semaphore, #tpu.memory_space<semaphore_mem>>
      %dma_start3A_41 = arith.constant 0 : i32
      %dma_start3A_42 = tpu.memref_slice %arg4[%add3A_40, %dma_start3A_41] : memref<6144x1024xf32, #tpu.memory_space<hbm>> -> memref<48x1024xf32, #tpu.memory_space<hbm>>
      %dma_start3A_43 = arith.constant 0 : i32
      %dma_start3A_44 = tpu.memref_slice %arg4[%add3A_40, %dma_start3A_43] : memref<6144x1024xf32, #tpu.memory_space<hbm>> -> memref<48x1024xf32, #tpu.memory_space<hbm>>
      tpu.enqueue_dma source(%arg8 : memref<48x1024xf32, #tpu.memory_space<vmem>>) target(%dma_start3A_44 : memref<48x1024xf32, #tpu.memory_space<hbm>>) target_semaphore(%run_scoped3A : memref<!tpu.dma_semaphore, #tpu.memory_space<semaphore_mem>>)
      %dma_wait3A_45 = arith.constant 0 : i32
      %dma_wait3A_46 = tpu.memref_slice %arg4[%add3A_40, %dma_wait3A_45] : memref<6144x1024xf32, #tpu.memory_space<hbm>> -> memref<48x1024xf32, #tpu.memory_space<hbm>>
      %dma_wait3A_47 = arith.constant 0 : i32
      %dma_wait3A_48 = tpu.memref_slice %arg4[%add3A_40, %dma_wait3A_47] : memref<6144x1024xf32, #tpu.memory_space<hbm>> -> memref<48x1024xf32, #tpu.memory_space<hbm>>
      tpu.wait_dma2 semaphore(%run_scoped3A : memref<!tpu.dma_semaphore, #tpu.memory_space<semaphore_mem>>) src(%arg8 : memref<48x1024xf32, #tpu.memory_space<vmem>>) dst(%dma_wait3A_48 : memref<48x1024xf32, #tpu.memory_space<hbm>>)
      tpu.yield
    }) : () -> ()
    return
  }
}

#map = affine_map<(d0, d1) -> (0, 0)>
#map1 = affine_map<(d0, d1) -> (0)>
module attributes {stable_mosaic.version = 14 : i64} {
  func.func @gather_kernel(%arg0: i32, %arg1: i32, %arg2: memref<6144x1024xf32, #tpu.memory_space<hbm>>, %arg3: memref<4096xi32, #tpu.memory_space<hbm>>, %arg4: memref<4096x1024xf32, #tpu.memory_space<hbm>>, %arg5: memref<32xi32, #tpu.memory_space<vmem>>, %arg6: memref<32xi32, #tpu.memory_space<vmem>>, %arg7: memref<32x1024xf32, #tpu.memory_space<vmem>>, %arg8: memref<32x1024xf32, #tpu.memory_space<vmem>>, %arg9: memref<!tpu.dma_semaphore, #tpu.memory_space<semaphore_mem>>, %arg10: memref<!tpu.dma_semaphore, #tpu.memory_space<semaphore_mem>>) attributes {dimension_semantics = [#tpu.dimension_semantics<core_parallel>, #tpu.dimension_semantics<subcore_parallel>], iteration_bounds = array<i64: 2, 16>, scalar_prefetch = 0 : i64, scratch_operands = 6 : i64, tpu.core_type = #tpu.core_type<sc_vector_subcore>, window_params = [{transform_indices = #map}, {transform_indices = #map1}, {transform_indices = #map}]} {
    %mul3A = arith.constant 2 : i32
    %mul3A_0 = arith.muli %arg1, %mul3A : i32
    %add3A = arith.addi %mul3A_0, %arg0 : i32
    %mul3A_1 = arith.constant 128 : i32
    %mul3A_2 = arith.muli %add3A, %mul3A_1 : i32
    %add3A_3 = arith.constant 0 : i32
    %add3A_4 = arith.addi %mul3A_2, %add3A_3 : i32
    "tpu.region"() ({
      %run_scoped3A = tpu.sem_alloc : memref<!tpu.dma_semaphore, #tpu.memory_space<semaphore_mem>>
      %dma_start3A_41 = tpu.memref_slice %arg3[%add3A_4] : memref<4096xi32, #tpu.memory_space<hbm>> -> memref<32xi32, #tpu.memory_space<hbm>>
      %dma_start3A_42 = tpu.memref_slice %arg3[%add3A_4] : memref<4096xi32, #tpu.memory_space<hbm>> -> memref<32xi32, #tpu.memory_space<hbm>>
      tpu.enqueue_dma source(%dma_start3A_42 : memref<32xi32, #tpu.memory_space<hbm>>) target(%arg5 : memref<32xi32, #tpu.memory_space<vmem>>) target_semaphore(%run_scoped3A : memref<!tpu.dma_semaphore, #tpu.memory_space<semaphore_mem>>)
      %dma_wait3A_43 = tpu.memref_slice %arg3[%add3A_4] : memref<4096xi32, #tpu.memory_space<hbm>> -> memref<32xi32, #tpu.memory_space<hbm>>
      %dma_wait3A_44 = tpu.memref_slice %arg3[%add3A_4] : memref<4096xi32, #tpu.memory_space<hbm>> -> memref<32xi32, #tpu.memory_space<hbm>>
      tpu.wait_dma2 semaphore(%run_scoped3A : memref<!tpu.dma_semaphore, #tpu.memory_space<semaphore_mem>>) src(%dma_wait3A_44 : memref<32xi32, #tpu.memory_space<hbm>>) dst(%arg5 : memref<32xi32, #tpu.memory_space<vmem>>)
      tpu.yield
    }) : () -> ()
    %dma_start3A = arith.constant 0 : i32
    %dma_start3A_5 = arith.constant 0 : i32
    %dma_start3A_6 = tpu.memref_slice %arg2[%dma_start3A, %dma_start3A_5] : memref<6144x1024xf32, #tpu.memory_space<hbm>> -> memref<6144x1024xf32, #tpu.memory_space<hbm>>
    tpu.enqueue_indirect_dma source(%dma_start3A_6 : memref<6144x1024xf32, #tpu.memory_space<hbm>>) target(%arg7 : memref<32x1024xf32, #tpu.memory_space<vmem>>) offsets(%arg5 : memref<32xi32, #tpu.memory_space<vmem>>) semaphore(%arg9 : memref<!tpu.dma_semaphore, #tpu.memory_space<semaphore_mem>>)
    %add3A_7 = arith.constant 32 : i32
    %add3A_8 = arith.addi %mul3A_2, %add3A_7 : i32
    "tpu.region"() ({
      %run_scoped3A = tpu.sem_alloc : memref<!tpu.dma_semaphore, #tpu.memory_space<semaphore_mem>>
      %dma_start3A_41 = tpu.memref_slice %arg3[%add3A_8] : memref<4096xi32, #tpu.memory_space<hbm>> -> memref<32xi32, #tpu.memory_space<hbm>>
      %dma_start3A_42 = tpu.memref_slice %arg3[%add3A_8] : memref<4096xi32, #tpu.memory_space<hbm>> -> memref<32xi32, #tpu.memory_space<hbm>>
      tpu.enqueue_dma source(%dma_start3A_42 : memref<32xi32, #tpu.memory_space<hbm>>) target(%arg6 : memref<32xi32, #tpu.memory_space<vmem>>) target_semaphore(%run_scoped3A : memref<!tpu.dma_semaphore, #tpu.memory_space<semaphore_mem>>)
      %dma_wait3A_43 = tpu.memref_slice %arg3[%add3A_8] : memref<4096xi32, #tpu.memory_space<hbm>> -> memref<32xi32, #tpu.memory_space<hbm>>
      %dma_wait3A_44 = tpu.memref_slice %arg3[%add3A_8] : memref<4096xi32, #tpu.memory_space<hbm>> -> memref<32xi32, #tpu.memory_space<hbm>>
      tpu.wait_dma2 semaphore(%run_scoped3A : memref<!tpu.dma_semaphore, #tpu.memory_space<semaphore_mem>>) src(%dma_wait3A_44 : memref<32xi32, #tpu.memory_space<hbm>>) dst(%arg6 : memref<32xi32, #tpu.memory_space<vmem>>)
      tpu.yield
    }) : () -> ()
    %dma_start3A_9 = arith.constant 0 : i32
    %dma_start3A_10 = arith.constant 0 : i32
    %dma_start3A_11 = tpu.memref_slice %arg2[%dma_start3A_9, %dma_start3A_10] : memref<6144x1024xf32, #tpu.memory_space<hbm>> -> memref<6144x1024xf32, #tpu.memory_space<hbm>>
    tpu.enqueue_indirect_dma source(%dma_start3A_11 : memref<6144x1024xf32, #tpu.memory_space<hbm>>) target(%arg8 : memref<32x1024xf32, #tpu.memory_space<vmem>>) offsets(%arg6 : memref<32xi32, #tpu.memory_space<vmem>>) semaphore(%arg10 : memref<!tpu.dma_semaphore, #tpu.memory_space<semaphore_mem>>)
    %dma_wait3A = arith.constant 0 : i32
    %dma_wait3A_12 = arith.constant 0 : i32
    %dma_wait3A_13 = tpu.memref_slice %arg2[%dma_wait3A, %dma_wait3A_12] : memref<6144x1024xf32, #tpu.memory_space<hbm>> -> memref<6144x1024xf32, #tpu.memory_space<hbm>>
    tpu.wait_indirect_dma semaphore(%arg9 : memref<!tpu.dma_semaphore, #tpu.memory_space<semaphore_mem>>) src(%dma_wait3A_13 : memref<6144x1024xf32, #tpu.memory_space<hbm>>) dst(%arg7 : memref<32x1024xf32, #tpu.memory_space<vmem>>)
    %add3A_14 = arith.constant 0 : i32
    %add3A_15 = arith.addi %mul3A_2, %add3A_14 : i32
    "tpu.region"() ({
      %run_scoped3A = tpu.sem_alloc : memref<!tpu.dma_semaphore, #tpu.memory_space<semaphore_mem>>
      %dma_start3A_41 = arith.constant 0 : i32
      %dma_start3A_42 = tpu.memref_slice %arg4[%add3A_15, %dma_start3A_41] : memref<4096x1024xf32, #tpu.memory_space<hbm>> -> memref<32x1024xf32, #tpu.memory_space<hbm>>
      %dma_start3A_43 = arith.constant 0 : i32
      %dma_start3A_44 = tpu.memref_slice %arg4[%add3A_15, %dma_start3A_43] : memref<4096x1024xf32, #tpu.memory_space<hbm>> -> memref<32x1024xf32, #tpu.memory_space<hbm>>
      tpu.enqueue_dma source(%arg7 : memref<32x1024xf32, #tpu.memory_space<vmem>>) target(%dma_start3A_44 : memref<32x1024xf32, #tpu.memory_space<hbm>>) target_semaphore(%run_scoped3A : memref<!tpu.dma_semaphore, #tpu.memory_space<semaphore_mem>>)
      %dma_wait3A_45 = arith.constant 0 : i32
      %dma_wait3A_46 = tpu.memref_slice %arg4[%add3A_15, %dma_wait3A_45] : memref<4096x1024xf32, #tpu.memory_space<hbm>> -> memref<32x1024xf32, #tpu.memory_space<hbm>>
      %dma_wait3A_47 = arith.constant 0 : i32
      %dma_wait3A_48 = tpu.memref_slice %arg4[%add3A_15, %dma_wait3A_47] : memref<4096x1024xf32, #tpu.memory_space<hbm>> -> memref<32x1024xf32, #tpu.memory_space<hbm>>
      tpu.wait_dma2 semaphore(%run_scoped3A : memref<!tpu.dma_semaphore, #tpu.memory_space<semaphore_mem>>) src(%arg7 : memref<32x1024xf32, #tpu.memory_space<vmem>>) dst(%dma_wait3A_48 : memref<32x1024xf32, #tpu.memory_space<hbm>>)
      tpu.yield
    }) : () -> ()
    %add3A_16 = arith.constant 64 : i32
    %add3A_17 = arith.addi %mul3A_2, %add3A_16 : i32
    "tpu.region"() ({
      %run_scoped3A = tpu.sem_alloc : memref<!tpu.dma_semaphore, #tpu.memory_space<semaphore_mem>>
      %dma_start3A_41 = tpu.memref_slice %arg3[%add3A_17] : memref<4096xi32, #tpu.memory_space<hbm>> -> memref<32xi32, #tpu.memory_space<hbm>>
      %dma_start3A_42 = tpu.memref_slice %arg3[%add3A_17] : memref<4096xi32, #tpu.memory_space<hbm>> -> memref<32xi32, #tpu.memory_space<hbm>>
      tpu.enqueue_dma source(%dma_start3A_42 : memref<32xi32, #tpu.memory_space<hbm>>) target(%arg5 : memref<32xi32, #tpu.memory_space<vmem>>) target_semaphore(%run_scoped3A : memref<!tpu.dma_semaphore, #tpu.memory_space<semaphore_mem>>)
      %dma_wait3A_43 = tpu.memref_slice %arg3[%add3A_17] : memref<4096xi32, #tpu.memory_space<hbm>> -> memref<32xi32, #tpu.memory_space<hbm>>
      %dma_wait3A_44 = tpu.memref_slice %arg3[%add3A_17] : memref<4096xi32, #tpu.memory_space<hbm>> -> memref<32xi32, #tpu.memory_space<hbm>>
      tpu.wait_dma2 semaphore(%run_scoped3A : memref<!tpu.dma_semaphore, #tpu.memory_space<semaphore_mem>>) src(%dma_wait3A_44 : memref<32xi32, #tpu.memory_space<hbm>>) dst(%arg5 : memref<32xi32, #tpu.memory_space<vmem>>)
      tpu.yield
    }) : () -> ()
    %dma_start3A_18 = arith.constant 0 : i32
    %dma_start3A_19 = arith.constant 0 : i32
    %dma_start3A_20 = tpu.memref_slice %arg2[%dma_start3A_18, %dma_start3A_19] : memref<6144x1024xf32, #tpu.memory_space<hbm>> -> memref<6144x1024xf32, #tpu.memory_space<hbm>>
    tpu.enqueue_indirect_dma source(%dma_start3A_20 : memref<6144x1024xf32, #tpu.memory_space<hbm>>) target(%arg7 : memref<32x1024xf32, #tpu.memory_space<vmem>>) offsets(%arg5 : memref<32xi32, #tpu.memory_space<vmem>>) semaphore(%arg9 : memref<!tpu.dma_semaphore, #tpu.memory_space<semaphore_mem>>)
    %dma_wait3A_21 = arith.constant 0 : i32
    %dma_wait3A_22 = arith.constant 0 : i32
    %dma_wait3A_23 = tpu.memref_slice %arg2[%dma_wait3A_21, %dma_wait3A_22] : memref<6144x1024xf32, #tpu.memory_space<hbm>> -> memref<6144x1024xf32, #tpu.memory_space<hbm>>
    tpu.wait_indirect_dma semaphore(%arg10 : memref<!tpu.dma_semaphore, #tpu.memory_space<semaphore_mem>>) src(%dma_wait3A_23 : memref<6144x1024xf32, #tpu.memory_space<hbm>>) dst(%arg8 : memref<32x1024xf32, #tpu.memory_space<vmem>>)
    %add3A_24 = arith.constant 32 : i32
    %add3A_25 = arith.addi %mul3A_2, %add3A_24 : i32
    "tpu.region"() ({
      %run_scoped3A = tpu.sem_alloc : memref<!tpu.dma_semaphore, #tpu.memory_space<semaphore_mem>>
      %dma_start3A_41 = arith.constant 0 : i32
      %dma_start3A_42 = tpu.memref_slice %arg4[%add3A_25, %dma_start3A_41] : memref<4096x1024xf32, #tpu.memory_space<hbm>> -> memref<32x1024xf32, #tpu.memory_space<hbm>>
      %dma_start3A_43 = arith.constant 0 : i32
      %dma_start3A_44 = tpu.memref_slice %arg4[%add3A_25, %dma_start3A_43] : memref<4096x1024xf32, #tpu.memory_space<hbm>> -> memref<32x1024xf32, #tpu.memory_space<hbm>>
      tpu.enqueue_dma source(%arg8 : memref<32x1024xf32, #tpu.memory_space<vmem>>) target(%dma_start3A_44 : memref<32x1024xf32, #tpu.memory_space<hbm>>) target_semaphore(%run_scoped3A : memref<!tpu.dma_semaphore, #tpu.memory_space<semaphore_mem>>)
      %dma_wait3A_45 = arith.constant 0 : i32
      %dma_wait3A_46 = tpu.memref_slice %arg4[%add3A_25, %dma_wait3A_45] : memref<4096x1024xf32, #tpu.memory_space<hbm>> -> memref<32x1024xf32, #tpu.memory_space<hbm>>
      %dma_wait3A_47 = arith.constant 0 : i32
      %dma_wait3A_48 = tpu.memref_slice %arg4[%add3A_25, %dma_wait3A_47] : memref<4096x1024xf32, #tpu.memory_space<hbm>> -> memref<32x1024xf32, #tpu.memory_space<hbm>>
      tpu.wait_dma2 semaphore(%run_scoped3A : memref<!tpu.dma_semaphore, #tpu.memory_space<semaphore_mem>>) src(%arg8 : memref<32x1024xf32, #tpu.memory_space<vmem>>) dst(%dma_wait3A_48 : memref<32x1024xf32, #tpu.memory_space<hbm>>)
      tpu.yield
    }) : () -> ()
    %add3A_26 = arith.constant 96 : i32
    %add3A_27 = arith.addi %mul3A_2, %add3A_26 : i32
    "tpu.region"() ({
      %run_scoped3A = tpu.sem_alloc : memref<!tpu.dma_semaphore, #tpu.memory_space<semaphore_mem>>
      %dma_start3A_41 = tpu.memref_slice %arg3[%add3A_27] : memref<4096xi32, #tpu.memory_space<hbm>> -> memref<32xi32, #tpu.memory_space<hbm>>
      %dma_start3A_42 = tpu.memref_slice %arg3[%add3A_27] : memref<4096xi32, #tpu.memory_space<hbm>> -> memref<32xi32, #tpu.memory_space<hbm>>
      tpu.enqueue_dma source(%dma_start3A_42 : memref<32xi32, #tpu.memory_space<hbm>>) target(%arg6 : memref<32xi32, #tpu.memory_space<vmem>>) target_semaphore(%run_scoped3A : memref<!tpu.dma_semaphore, #tpu.memory_space<semaphore_mem>>)
      %dma_wait3A_43 = tpu.memref_slice %arg3[%add3A_27] : memref<4096xi32, #tpu.memory_space<hbm>> -> memref<32xi32, #tpu.memory_space<hbm>>
      %dma_wait3A_44 = tpu.memref_slice %arg3[%add3A_27] : memref<4096xi32, #tpu.memory_space<hbm>> -> memref<32xi32, #tpu.memory_space<hbm>>
      tpu.wait_dma2 semaphore(%run_scoped3A : memref<!tpu.dma_semaphore, #tpu.memory_space<semaphore_mem>>) src(%dma_wait3A_44 : memref<32xi32, #tpu.memory_space<hbm>>) dst(%arg6 : memref<32xi32, #tpu.memory_space<vmem>>)
      tpu.yield
    }) : () -> ()
    %dma_start3A_28 = arith.constant 0 : i32
    %dma_start3A_29 = arith.constant 0 : i32
    %dma_start3A_30 = tpu.memref_slice %arg2[%dma_start3A_28, %dma_start3A_29] : memref<6144x1024xf32, #tpu.memory_space<hbm>> -> memref<6144x1024xf32, #tpu.memory_space<hbm>>
    tpu.enqueue_indirect_dma source(%dma_start3A_30 : memref<6144x1024xf32, #tpu.memory_space<hbm>>) target(%arg8 : memref<32x1024xf32, #tpu.memory_space<vmem>>) offsets(%arg6 : memref<32xi32, #tpu.memory_space<vmem>>) semaphore(%arg10 : memref<!tpu.dma_semaphore, #tpu.memory_space<semaphore_mem>>)
    %dma_wait3A_31 = arith.constant 0 : i32
    %dma_wait3A_32 = arith.constant 0 : i32
    %dma_wait3A_33 = tpu.memref_slice %arg2[%dma_wait3A_31, %dma_wait3A_32] : memref<6144x1024xf32, #tpu.memory_space<hbm>> -> memref<6144x1024xf32, #tpu.memory_space<hbm>>
    tpu.wait_indirect_dma semaphore(%arg9 : memref<!tpu.dma_semaphore, #tpu.memory_space<semaphore_mem>>) src(%dma_wait3A_33 : memref<6144x1024xf32, #tpu.memory_space<hbm>>) dst(%arg7 : memref<32x1024xf32, #tpu.memory_space<vmem>>)
    %add3A_34 = arith.constant 64 : i32
    %add3A_35 = arith.addi %mul3A_2, %add3A_34 : i32
    "tpu.region"() ({
      %run_scoped3A = tpu.sem_alloc : memref<!tpu.dma_semaphore, #tpu.memory_space<semaphore_mem>>
      %dma_start3A_41 = arith.constant 0 : i32
      %dma_start3A_42 = tpu.memref_slice %arg4[%add3A_35, %dma_start3A_41] : memref<4096x1024xf32, #tpu.memory_space<hbm>> -> memref<32x1024xf32, #tpu.memory_space<hbm>>
      %dma_start3A_43 = arith.constant 0 : i32
      %dma_start3A_44 = tpu.memref_slice %arg4[%add3A_35, %dma_start3A_43] : memref<4096x1024xf32, #tpu.memory_space<hbm>> -> memref<32x1024xf32, #tpu.memory_space<hbm>>
      tpu.enqueue_dma source(%arg7 : memref<32x1024xf32, #tpu.memory_space<vmem>>) target(%dma_start3A_44 : memref<32x1024xf32, #tpu.memory_space<hbm>>) target_semaphore(%run_scoped3A : memref<!tpu.dma_semaphore, #tpu.memory_space<semaphore_mem>>)
      %dma_wait3A_45 = arith.constant 0 : i32
      %dma_wait3A_46 = tpu.memref_slice %arg4[%add3A_35, %dma_wait3A_45] : memref<4096x1024xf32, #tpu.memory_space<hbm>> -> memref<32x1024xf32, #tpu.memory_space<hbm>>
      %dma_wait3A_47 = arith.constant 0 : i32
      %dma_wait3A_48 = tpu.memref_slice %arg4[%add3A_35, %dma_wait3A_47] : memref<4096x1024xf32, #tpu.memory_space<hbm>> -> memref<32x1024xf32, #tpu.memory_space<hbm>>
      tpu.wait_dma2 semaphore(%run_scoped3A : memref<!tpu.dma_semaphore, #tpu.memory_space<semaphore_mem>>) src(%arg7 : memref<32x1024xf32, #tpu.memory_space<vmem>>) dst(%dma_wait3A_48 : memref<32x1024xf32, #tpu.memory_space<hbm>>)
      tpu.yield
    }) : () -> ()
    %dma_wait3A_36 = arith.constant 0 : i32
    %dma_wait3A_37 = arith.constant 0 : i32
    %dma_wait3A_38 = tpu.memref_slice %arg2[%dma_wait3A_36, %dma_wait3A_37] : memref<6144x1024xf32, #tpu.memory_space<hbm>> -> memref<6144x1024xf32, #tpu.memory_space<hbm>>
    tpu.wait_indirect_dma semaphore(%arg10 : memref<!tpu.dma_semaphore, #tpu.memory_space<semaphore_mem>>) src(%dma_wait3A_38 : memref<6144x1024xf32, #tpu.memory_space<hbm>>) dst(%arg8 : memref<32x1024xf32, #tpu.memory_space<vmem>>)
    %add3A_39 = arith.constant 96 : i32
    %add3A_40 = arith.addi %mul3A_2, %add3A_39 : i32
    "tpu.region"() ({
      %run_scoped3A = tpu.sem_alloc : memref<!tpu.dma_semaphore, #tpu.memory_space<semaphore_mem>>
      %dma_start3A_41 = arith.constant 0 : i32
      %dma_start3A_42 = tpu.memref_slice %arg4[%add3A_40, %dma_start3A_41] : memref<4096x1024xf32, #tpu.memory_space<hbm>> -> memref<32x1024xf32, #tpu.memory_space<hbm>>
      %dma_start3A_43 = arith.constant 0 : i32
      %dma_start3A_44 = tpu.memref_slice %arg4[%add3A_40, %dma_start3A_43] : memref<4096x1024xf32, #tpu.memory_space<hbm>> -> memref<32x1024xf32, #tpu.memory_space<hbm>>
      tpu.enqueue_dma source(%arg8 : memref<32x1024xf32, #tpu.memory_space<vmem>>) target(%dma_start3A_44 : memref<32x1024xf32, #tpu.memory_space<hbm>>) target_semaphore(%run_scoped3A : memref<!tpu.dma_semaphore, #tpu.memory_space<semaphore_mem>>)
      %dma_wait3A_45 = arith.constant 0 : i32
      %dma_wait3A_46 = tpu.memref_slice %arg4[%add3A_40, %dma_wait3A_45] : memref<4096x1024xf32, #tpu.memory_space<hbm>> -> memref<32x1024xf32, #tpu.memory_space<hbm>>
      %dma_wait3A_47 = arith.constant 0 : i32
      %dma_wait3A_48 = tpu.memref_slice %arg4[%add3A_40, %dma_wait3A_47] : memref<4096x1024xf32, #tpu.memory_space<hbm>> -> memref<32x1024xf32, #tpu.memory_space<hbm>>
      tpu.wait_dma2 semaphore(%run_scoped3A : memref<!tpu.dma_semaphore, #tpu.memory_space<semaphore_mem>>) src(%arg8 : memref<32x1024xf32, #tpu.memory_space<vmem>>) dst(%dma_wait3A_48 : memref<32x1024xf32, #tpu.memory_space<hbm>>)
      tpu.yield
    }) : () -> ()
    return
  }
}

module attributes {stable_mosaic.version = 14 : i64} {
  func.func @_moe_tile_kernel(%arg0: i32, %arg1: memref<24xi32, #tpu.memory_space<smem>>, %arg2: memref<256x1024xf32, #tpu.memory_space<vmem>>, %arg3: memref<1x1024x512xbf16, #tpu.memory_space<vmem>>, %arg4: memref<1x1024x512xbf16, #tpu.memory_space<vmem>>, %arg5: memref<1x512x1024xbf16, #tpu.memory_space<vmem>>, %arg6: memref<256x1024xf32, #tpu.memory_space<vmem>>) attributes {dimension_semantics = [#tpu.dimension_semantics<arbitrary>], iteration_bounds = array<i64: 24>, scalar_prefetch = 1 : i64, scratch_operands = 0 : i64, tpu.core_type = #tpu.core_type<tc>, window_params = [{transform_indices = @transform_0, window_bounds = array<i64: 256, 1024>}, {transform_indices = @transform_1, window_bounds = array<i64: 1, 1024, 512>}, {transform_indices = @transform_2, window_bounds = array<i64: 1, 1024, 512>}, {transform_indices = @transform_3, window_bounds = array<i64: 1, 512, 1024>}, {transform_indices = @transform_4, window_bounds = array<i64: 256, 1024>}]} {
    %get3A = arith.constant 0 : index
    %get3A_0 = arith.constant 0 : index
    %get3A_1 = vector.load %arg2[%get3A, %get3A_0] : memref<256x1024xf32, #tpu.memory_space<vmem>>, vector<256x1024xf32>
    %convert_element_type3A = arith.truncf %get3A_1 : vector<256x1024xf32> to vector<256x1024xbf16>
    %get3A_2 = arith.constant 0 : index
    %get3A_3 = arith.constant 0 : index
    %get3A_4 = arith.constant 0 : index
    %get3A_5 = vector.load %arg3[%get3A_2, %get3A_3, %get3A_4] : memref<1x1024x512xbf16, #tpu.memory_space<vmem>>, vector<1x1024x512xbf16>
    %get3A_6 = vector.shape_cast %get3A_5 : vector<1x1024x512xbf16> to vector<1024x512xbf16>
    %dot_general3A = arith.constant dense<0.000000e+00> : vector<256x512xf32>
    %dot_general3A_7 = tpu.matmul %convert_element_type3A, %get3A_6, %dot_general3A {dimension_numbers = #tpu.dot_dimension_numbers<[1], [0], [0], [1], [0, 0, 1, 1], [], []>, transpose_lhs_hint = false} : vector<256x1024xbf16>, vector<1024x512xbf16>, vector<256x512xf32> -> vector<256x512xf32>
    %get3A_8 = arith.constant 0 : index
    %get3A_9 = arith.constant 0 : index
    %get3A_10 = arith.constant 0 : index
    %get3A_11 = vector.load %arg4[%get3A_8, %get3A_9, %get3A_10] : memref<1x1024x512xbf16, #tpu.memory_space<vmem>>, vector<1x1024x512xbf16>
    %get3A_12 = vector.shape_cast %get3A_11 : vector<1x1024x512xbf16> to vector<1024x512xbf16>
    %dot_general3A_13 = arith.constant dense<0.000000e+00> : vector<256x512xf32>
    %dot_general3A_14 = tpu.matmul %convert_element_type3A, %get3A_12, %dot_general3A_13 {dimension_numbers = #tpu.dot_dimension_numbers<[1], [0], [0], [1], [0, 0, 1, 1], [], []>, transpose_lhs_hint = false} : vector<256x1024xbf16>, vector<1024x512xbf16>, vector<256x512xf32> -> vector<256x512xf32>
    %logistic3A = arith.negf %dot_general3A_7 : vector<256x512xf32>
    %logistic3A_15 = math.exp %logistic3A : vector<256x512xf32>
    %logistic3A_16 = arith.constant 1.000000e+00 : f32
    %logistic3A_17 = vector.broadcast %logistic3A_16 : f32 to vector<256x512xf32>
    %logistic3A_18 = arith.addf %logistic3A_17, %logistic3A_15 : vector<256x512xf32>
    %logistic3A_19 = arith.divf %logistic3A_17, %logistic3A_18 : vector<256x512xf32>
    %mul3A = arith.mulf %dot_general3A_7, %logistic3A_19 : vector<256x512xf32>
    %mul3A_20 = arith.mulf %mul3A, %dot_general3A_14 : vector<256x512xf32>
    %convert_element_type3A_21 = arith.truncf %mul3A_20 : vector<256x512xf32> to vector<256x512xbf16>
    %get3A_22 = arith.constant 0 : index
    %get3A_23 = arith.constant 0 : index
    %get3A_24 = arith.constant 0 : index
    %get3A_25 = vector.load %arg5[%get3A_22, %get3A_23, %get3A_24] : memref<1x512x1024xbf16, #tpu.memory_space<vmem>>, vector<1x512x1024xbf16>
    %get3A_26 = vector.shape_cast %get3A_25 : vector<1x512x1024xbf16> to vector<512x1024xbf16>
    %dot_general3A_27 = arith.constant dense<0.000000e+00> : vector<256x1024xf32>
    %dot_general3A_28 = tpu.matmul %convert_element_type3A_21, %get3A_26, %dot_general3A_27 {dimension_numbers = #tpu.dot_dimension_numbers<[1], [0], [0], [1], [0, 0, 1, 1], [], []>, transpose_lhs_hint = false} : vector<256x512xbf16>, vector<512x1024xbf16>, vector<256x1024xf32> -> vector<256x1024xf32>
    %swap3A = arith.constant 0 : index
    %swap3A_29 = arith.constant 0 : index
    %swap3A_30 = vector.load %arg6[%swap3A, %swap3A_29] : memref<256x1024xf32, #tpu.memory_space<vmem>>, vector<256x1024xf32>
    tpu.vector_store %arg6[%swap3A, %swap3A_29], %dot_general3A_28 {strides = array<i32>} : memref<256x1024xf32, #tpu.memory_space<vmem>>, vector<256x1024xf32>,
    return
  }
  func.func @transform_0(%arg0: i32, %arg1: memref<24xi32, #tpu.memory_space<smem>>) -> (i32, i32) {
    %c0_i32 = arith.constant 0 : i32
    %c0_i32_0 = arith.constant 0 : i32
    return %arg0, %c0_i32 : i32, i32
  }
  func.func @transform_1(%arg0: i32, %arg1: memref<24xi32, #tpu.memory_space<smem>>) -> (i32, i32, i32) {
    %get3A = arith.index_cast %arg0 : i32 to index
    %get3A_0 = memref.load %arg1[%get3A] : memref<24xi32, #tpu.memory_space<smem>>
    %c0_i32 = arith.constant 0 : i32
    %c0_i32_1 = arith.constant 0 : i32
    %c0_i32_2 = arith.constant 0 : i32
    return %get3A_0, %c0_i32, %c0_i32_1 : i32, i32, i32
  }
  func.func @transform_2(%arg0: i32, %arg1: memref<24xi32, #tpu.memory_space<smem>>) -> (i32, i32, i32) {
    %get3A = arith.index_cast %arg0 : i32 to index
    %get3A_0 = memref.load %arg1[%get3A] : memref<24xi32, #tpu.memory_space<smem>>
    %c0_i32 = arith.constant 0 : i32
    %c0_i32_1 = arith.constant 0 : i32
    %c0_i32_2 = arith.constant 0 : i32
    return %get3A_0, %c0_i32, %c0_i32_1 : i32, i32, i32
  }
  func.func @transform_3(%arg0: i32, %arg1: memref<24xi32, #tpu.memory_space<smem>>) -> (i32, i32, i32) {
    %get3A = arith.index_cast %arg0 : i32 to index
    %get3A_0 = memref.load %arg1[%get3A] : memref<24xi32, #tpu.memory_space<smem>>
    %c0_i32 = arith.constant 0 : i32
    %c0_i32_1 = arith.constant 0 : i32
    %c0_i32_2 = arith.constant 0 : i32
    return %get3A_0, %c0_i32, %c0_i32_1 : i32, i32, i32
  }
  func.func @transform_4(%arg0: i32, %arg1: memref<24xi32, #tpu.memory_space<smem>>) -> (i32, i32) {
    %c0_i32 = arith.constant 0 : i32
    %c0_i32_0 = arith.constant 0 : i32
    return %arg0, %c0_i32 : i32, i32
  }
}

module attributes {stable_mosaic.version = 14 : i64} {
  func.func @_shared_tile_kernel(%arg0: i32, %arg1: memref<256x1024xf32, #tpu.memory_space<vmem>>, %arg2: memref<1024x1024xbf16, #tpu.memory_space<vmem>>, %arg3: memref<1024x1024xbf16, #tpu.memory_space<vmem>>, %arg4: memref<1024x1024xbf16, #tpu.memory_space<vmem>>, %arg5: memref<256x1024xf32, #tpu.memory_space<vmem>>) attributes {dimension_semantics = [#tpu.dimension_semantics<arbitrary>], iteration_bounds = array<i64: 8>, scalar_prefetch = 0 : i64, scratch_operands = 0 : i64, tpu.core_type = #tpu.core_type<tc>, window_params = [{transform_indices = @transform_0, window_bounds = array<i64: 256, 1024>}, {pipeline_mode = #tpu.pipeline_mode<synchronous>, transform_indices = @transform_1, window_bounds = array<i64: 1024, 1024>}, {pipeline_mode = #tpu.pipeline_mode<synchronous>, transform_indices = @transform_2, window_bounds = array<i64: 1024, 1024>}, {pipeline_mode = #tpu.pipeline_mode<synchronous>, transform_indices = @transform_3, window_bounds = array<i64: 1024, 1024>}, {transform_indices = @transform_4, window_bounds = array<i64: 256, 1024>}]} {
    %get3A = arith.constant 0 : index
    %get3A_0 = arith.constant 0 : index
    %get3A_1 = vector.load %arg1[%get3A, %get3A_0] : memref<256x1024xf32, #tpu.memory_space<vmem>>, vector<256x1024xf32>
    %convert_element_type3A = arith.truncf %get3A_1 : vector<256x1024xf32> to vector<256x1024xbf16>
    %get3A_2 = arith.constant 0 : index
    %get3A_3 = arith.constant 0 : index
    %get3A_4 = vector.load %arg2[%get3A_2, %get3A_3] : memref<1024x1024xbf16, #tpu.memory_space<vmem>>, vector<1024x1024xbf16>
    %dot_general3A = arith.constant dense<0.000000e+00> : vector<256x1024xf32>
    %dot_general3A_5 = tpu.matmul %convert_element_type3A, %get3A_4, %dot_general3A {dimension_numbers = #tpu.dot_dimension_numbers<[1], [0], [0], [1], [0, 0, 1, 1], [], []>, transpose_lhs_hint = false} : vector<256x1024xbf16>, vector<1024x1024xbf16>, vector<256x1024xf32> -> vector<256x1024xf32>
    %get3A_6 = arith.constant 0 : index
    %get3A_7 = arith.constant 0 : index
    %get3A_8 = vector.load %arg3[%get3A_6, %get3A_7] : memref<1024x1024xbf16, #tpu.memory_space<vmem>>, vector<1024x1024xbf16>
    %dot_general3A_9 = arith.constant dense<0.000000e+00> : vector<256x1024xf32>
    %dot_general3A_10 = tpu.matmul %convert_element_type3A, %get3A_8, %dot_general3A_9 {dimension_numbers = #tpu.dot_dimension_numbers<[1], [0], [0], [1], [0, 0, 1, 1], [], []>, transpose_lhs_hint = false} : vector<256x1024xbf16>, vector<1024x1024xbf16>, vector<256x1024xf32> -> vector<256x1024xf32>
    %logistic3A = arith.negf %dot_general3A_5 : vector<256x1024xf32>
    %logistic3A_11 = math.exp %logistic3A : vector<256x1024xf32>
    %logistic3A_12 = arith.constant 1.000000e+00 : f32
    %logistic3A_13 = vector.broadcast %logistic3A_12 : f32 to vector<256x1024xf32>
    %logistic3A_14 = arith.addf %logistic3A_13, %logistic3A_11 : vector<256x1024xf32>
    %logistic3A_15 = arith.divf %logistic3A_13, %logistic3A_14 : vector<256x1024xf32>
    %mul3A = arith.mulf %dot_general3A_5, %logistic3A_15 : vector<256x1024xf32>
    %mul3A_16 = arith.mulf %mul3A, %dot_general3A_10 : vector<256x1024xf32>
    %convert_element_type3A_17 = arith.truncf %mul3A_16 : vector<256x1024xf32> to vector<256x1024xbf16>
    %get3A_18 = arith.constant 0 : index
    %get3A_19 = arith.constant 0 : index
    %get3A_20 = vector.load %arg4[%get3A_18, %get3A_19] : memref<1024x1024xbf16, #tpu.memory_space<vmem>>, vector<1024x1024xbf16>
    %dot_general3A_21 = arith.constant dense<0.000000e+00> : vector<256x1024xf32>
    %dot_general3A_22 = tpu.matmul %convert_element_type3A_17, %get3A_20, %dot_general3A_21 {dimension_numbers = #tpu.dot_dimension_numbers<[1], [0], [0], [1], [0, 0, 1, 1], [], []>, transpose_lhs_hint = false} : vector<256x1024xbf16>, vector<1024x1024xbf16>, vector<256x1024xf32> -> vector<256x1024xf32>
    %swap3A = arith.constant 0 : index
    %swap3A_23 = arith.constant 0 : index
    %swap3A_24 = vector.load %arg5[%swap3A, %swap3A_23] : memref<256x1024xf32, #tpu.memory_space<vmem>>, vector<256x1024xf32>
    tpu.vector_store %arg5[%swap3A, %swap3A_23], %dot_general3A_22 {strides = array<i32>} : memref<256x1024xf32, #tpu.memory_space<vmem>>, vector<256x1024xf32>,
    return
  }
  func.func @transform_0(%arg0: i32) -> (i32, i32) {
    %c0_i32 = arith.constant 0 : i32
    %c0_i32_0 = arith.constant 0 : i32
    return %arg0, %c0_i32 : i32, i32
  }
  func.func @transform_1(%arg0: i32) -> (i32, i32) {
    %c0_i32 = arith.constant 0 : i32
    %c0_i32_0 = arith.constant 0 : i32
    %c0_i32_1 = arith.constant 0 : i32
    return %c0_i32, %c0_i32_0 : i32, i32
  }
  func.func @transform_2(%arg0: i32) -> (i32, i32) {
    %c0_i32 = arith.constant 0 : i32
    %c0_i32_0 = arith.constant 0 : i32
    %c0_i32_1 = arith.constant 0 : i32
    return %c0_i32, %c0_i32_0 : i32, i32
  }
  func.func @transform_3(%arg0: i32) -> (i32, i32) {
    %c0_i32 = arith.constant 0 : i32
    %c0_i32_0 = arith.constant 0 : i32
    %c0_i32_1 = arith.constant 0 : i32
    return %c0_i32, %c0_i32_0 : i32, i32
  }
  func.func @transform_4(%arg0: i32) -> (i32, i32) {
    %c0_i32 = arith.constant 0 : i32
    %c0_i32_0 = arith.constant 0 : i32
    return %arg0, %c0_i32 : i32, i32
  }
}

</mosaic_0001>

<sc_bundles>
// kernel: gather_offload_async_start.1
scs
__scs_entry_jumppad:
0x0: {  	(pc) =	sbr.rel $0x88, $3  }
0x1: {  	(tag) =	ssettag $0x0;
	lr =	simm.s32 $0x1  }
0x2: {  	[smem:$0x3F98] =	sst lr;
	_ =	strace $0xD0000000  }
0x3: {  	_ = 	snop  }
0x4: {  	_ = 	snop  }
0x5: {  	_ = 	snop  }
0x6: {  	_ = 	snop  }
0x7: {  	_ = 	snop  }
__scs_overlays_trampoline_lowered:
0x8: {  	[smem:$0x3FA7] =	sst s0  }
0x9: {  	[smem:$0x3FA8] =	sst s1  }
0xa: {  	[smem:$0x3FA9] =	sst s2  }
0xb: {  	[smem:$0x3FAA] =	sst s3  }
0xc: {  	[smem:$0x3FAB] =	sst s4  }
0xd: {  	[smem:$0x3FAC] =	sst s5  }
0xe: {  	[smem:$0x3FAD] =	sst s6  }
0xf: {  	[smem:$0x3FAE] =	sst s7  }
0x10: {  	[smem:$0x3FAF] =	sst s8  }
0x11: {  	[smem:$0x3FB0] =	sst s9;
	s0 =	simm.s32 @!p0 $0x0  }
0x12: {  	s1 =	sld [smem:$0x3F96];
	s0 =	simm.s32 @p0 $0x1  }
0x13: {  	[smem:$0x3FB1] =	sst s0;
	s0 =	simm.s32 @!p1 $0x0  }
0x14: {  	s2 =	sld [smem:$0x3F95];
	s0 =	simm.s32 @p1 $0x1  }
0x15: {  	[smem:$0x3FB2] =	sst s0;
	s0 =	simm.s32 @!p2 $0x0  }
0x16: {  	s3 =	sld [smem:$0x3FDB];
	s0 =	simm.s32 @p2 $0x1  }
0x17: {  	s4 =	simm.s32 $0x1BF5;
	[smem:$0x3FB4] =	sst s0  }
0x18: {  	s0 =	sld [smem:$0x3F97];
	_ =	swait.ge [sflag:s4], $0x0  }
0x19: {  	s7 =	sld [smem:$0x3F98]  }
0x1a: {  	s8 =	sadd.s32 $0xFFFFE003, lr  }
0x1b: {  	s9 =	sadd.s32 $0xFFFFFEF7, lr;
	s5 =	simm.s32 $0xFFFFFFFF;
	p2 =	slt.u32 s8, $0xFFFFF086  }
0x1c: {  	p1 =	slt.u32 s9, $0xF7A;
	s5 =	simm.s32 @!p2 $0x0  }
0x1d: {  	s5 =	simm.s32 @p1 $0x1;
	p0 =	seq.s32 s7, s2  }
0x1e: {  	s7 =	smul.u32 @!p0 $0xF7A, s2;
	p2 =	seq.s32 @!p0 s5, $0x0  }
0x1f: {  	s9 =	smul.u32 $0xF7A, s1;
	s8 =	simm.s32 @!p0 $0x1BF5;
	p2 =	por !p2, p0  }
0x20: {  	[sflag:s8] =	ssyncset.s32 @!p0 $0xFFFFF086;
	s6 =	sadd.s32 @!p0 s3, s7;
	s7 =	simm.s32 @!p0 $0x108  }
0x21: {  	s3 =	sadd.s32 s3, s9;
	s6 =	sadd.s32 @!p0 $0x88, s6;
	s7 =	simm.s32 @p2 $0x1082  }
0x22: {  	[simem:s7], [sflag:s8] =	dma.local @!p0 [hbm:s6], $0xF7A  }
0x23: {  	s9 =	sor.u32 $0xD0000000, s2;
	s6 =	simm.s32 $0x108;
	_ =	swait.ge @!p0 [sflag:s8], $0x0  }
0x24: {  	s3 =	sadd.s32 $0x88, s3;
	s6 =	simm.s32 @!p1 $0x1082;
	[sflag:s4] =	ssyncset.s32 $0xFFFFF086  }
0x25: {  	[simem:s6], [sflag:s4] =	dma.local [hbm:s3], $0xF7A  }
0x26: {  	[smem:$0x3F98] =	sst s1;
	(tag) =	ssettag s2;
	_ =	strace s9  }
0x27: {  	s1 =	sld [smem:$0x3FA8]  }
0x28: {  	s2 =	sld [smem:$0x3FA9]  }
0x29: {  	s4 =	sld [smem:$0x3FAB]  }
0x2a: {  	p0 =	seq.s32 s5, $0x0;
	s5 =	sld [smem:$0x3FAC]  }
0x2b: {  	s6 =	sld [smem:$0x3FAD]  }
0x2c: {  	s7 =	sld [smem:$0x3FAE]  }
0x2d: {  	s3 =	simm.s32 $0x108;
	s8 =	sld [smem:$0x3FAF]  }
0x2e: {  	s3 =	simm.s32 @!p0 $0x1082;
	s9 =	sld [smem:$0x3FB0]  }
0x2f: {  	lr =	sadd.s32 s0, s3;
	s0 =	sld [smem:$0x3FA7]  }
0x30: {  	s3 =	sld [smem:$0x3FAA]  }
0x31: {  	[smem:$0x3FB3] =	sst s10  }
0x32: {  	s10 =	sld [smem:$0x3FB1];
	_ =	sdelay $0x3  }
0x33: {  	p0 =	seq.s32 s10, $0x1;
	s10 =	sld [smem:$0x3FB3];
	_ =	sdelay $0x3  }
0x34: {  	[smem:$0x3FB3] =	sst s10  }
0x35: {  	s10 =	sld [smem:$0x3FB2];
	_ =	sdelay $0x3  }
0x36: {  	p1 =	seq.s32 s10, $0x1;
	s10 =	sld [smem:$0x3FB3];
	_ =	sdelay $0x3  }
0x37: {  	[smem:$0x3FB3] =	sst s10  }
0x38: {  	s10 =	sld [smem:$0x3FB4]  }
0x39: {  	_ = 	snop;
	(pc) =	sbr.ind lr, $3  }
0x3a: {  	_ = 	snop  }
0x3b: {  	_ = 	snop  }
0x3c: {  	p2 =	seq.s32 s10, $0x1;
	s10 =	sld [smem:$0x3FB3]  }
0x3d: {  	_ =	shalt  }
0x3e: {  	_ =	shalt  }
0x3f: {  	_ =	shalt  }
0x40: {  	_ =	shalt  }
0x41: {  	_ =	shalt  }
0x42: {  	_ =	shalt  }
0x43: {  	_ =	shalt  }
0x44: {  	_ =	shalt  }
0x45: {  	_ =	shalt  }
0x46: {  	_ =	shalt  }
0x47: {  	_ =	shalt  }
0x48: {  	_ =	shalt  }
0x49: {  	_ =	shalt  }
0x4a: {  	_ =	shalt  }
0x4b: {  	_ =	shalt  }
0x4c: {  	_ =	shalt  }
0x4d: {  	_ =	shalt  }
0x4e: {  	_ =	shalt  }
0x4f: {  	_ =	shalt  }
0x50: {  	_ =	shalt  }
0x51: {  	_ =	shalt  }
0x52: {  	_ =	shalt  }
0x53: {  	_ =	shalt  }
0x54: {  	_ =	shalt  }
0x55: {  	_ =	shalt  }
0x56: {  	_ =	shalt  }
0x57: {  	_ =	shalt  }
0x58: {  	_ =	shalt  }
0x59: {  	_ =	shalt  }
0x5a: {  	_ =	shalt  }
0x5b: {  	_ =	shalt  }
0x5c: {  	_ =	shalt  }
0x5d: {  	_ =	shalt  }
0x5e: {  	_ =	shalt  }
0x5f: {  	_ =	shalt  }
0x60: {  	_ =	shalt  }
0x61: {  	_ =	shalt  }
0x62: {  	_ =	shalt  }
0x63: {  	_ =	shalt  }
0x64: {  	_ =	shalt  }
0x65: {  	_ =	shalt  }
0x66: {  	_ =	shalt  }
0x67: {  	_ =	shalt  }
0x68: {  	_ =	shalt  }
0x69: {  	_ =	shalt  }
0x6a: {  	_ =	shalt  }
0x6b: {  	_ =	shalt  }
0x6c: {  	_ =	shalt  }
0x6d: {  	_ =	shalt  }
0x6e: {  	_ =	shalt  }
0x6f: {  	_ =	shalt  }
0x70: {  	_ =	shalt  }
0x71: {  	_ =	shalt  }
0x72: {  	_ =	shalt  }
0x73: {  	_ =	shalt  }
0x74: {  	_ =	shalt  }
0x75: {  	_ =	shalt  }
0x76: {  	_ =	shalt  }
0x77: {  	_ =	shalt  }
0x78: {  	_ =	shalt  }
0x79: {  	_ =	shalt  }
0x7a: {  	_ =	shalt  }
0x7b: {  	_ =	shalt  }
0x7c: {  	_ =	shalt  }
0x7d: {  	_ =	shalt  }
0x7e: {  	_ =	shalt  }
0x7f: {  	_ =	shalt  }
0x80: {  	_ =	shalt  }
0x81: {  	_ =	shalt  }
0x82: {  	_ =	shalt  }
0x83: {  	_ =	shalt  }
0x84: {  	_ =	shalt  }
0x85: {  	_ =	shalt  }
0x86: {  	_ =	shalt  }
0x87: {  	_ =	shalt  }
.Lfunc_end0:
.L_simem_size_0:
called_computation.1_lowered:
.L_overlay_start_0:
0x88: {  	s2 =	sld [smem:$0x3FD9]  }
0x89: {  	s3 =	sld [smem:$0x3FFE];
	_ =	sdelay $0x1  }
0x8a: {  	s1 =	srdreg.scid  }
0x8b: {  	s0 =	sand.u32 $0x1, s1  }
0x8c: {  	s17 =	sshll.u32 s0, $0xA;
	s2 =	sadd.s32 s3, s2  }
0x8d: {  	s2 =	sadd.s32 s2, s17  }
0x8e: {  	[smem:$0x3FBF] =	sst s2  }
0x8f: {  	_ = 	snop  }
0x90: {  	s2 =	sld [smem:$0x3FD0];
	(tm) =	ssettm $0x1  }
0x91: {  	s18 =	sld [smem:$0x3FFB];
	_ =	sdelay $0x3  }
0x92: {  	_ =	strace s18  }
0x93: {  	s3 =	sld [smem:$0x3FFC];
	_ =	sdelay $0x3  }
0x94: {  	_ =	strace s3  }
0x95: {  	s3 =	sld [smem:$0x3FFD];
	_ =	sdelay $0x3  }
0x96: {  	_ =	strace s3  }
0x97: {  	_ =	strace $0x8FFFFFFF  }
0x98: {  	s19 =	sld [smem:$0x3FDB];
	_ =	sdelay $0x1  }
0x99: {  	s4 =	simm.s32 $_scs_section_size  }
0x9a: {  	s5 =	simm.s32 $_size__tile_overlayer_lowered;
	s6 =	simm.s32 $_tile_overlayer_lowered  }
0x9b: {  	s22 =	simm.s32 $0x1BFF;
	s21 =	sshll.u32 s6, $0x1;
	s3 =	sadd.s32 s4, s19  }
0x9c: {  	s7 =	simm.s32 $0x0;
	s20 =	sshll.u32 s5, $0x1;
	s5 =	sadd.s32 s21, s3  }
0x9d: {  	[timem:s7], [sflag:s22] =	dma.local [hbm:s5], s20  }
0x9e: {  	_ =	swait.ge [sflag:s22], s20  }
0x9f: {  	s4 =	ssub.s32 $0x0, s20;
	[sflag:s22] =	ssyncset.done $0x0  }
0xa0: {  	[sflag:s22] =	ssyncadd.s32 s4;
	_ =	sdelay $0x1  }
0xa1: {  	s23 =	simm.s32 $0x1B8B  }
0xa2: {  	_ =	swait.ge [sflag:s23], $0x1  }
0xa3: {  	[sflag:s23] =	ssyncset.done $0x0  }
0xa4: {  	s25 =	simm.s32 $0x1B8E;
	s24 =	sld [smem:$0x3FFE];
	[sflag:s23] =	ssyncadd.s32 $0xFFFFFFFF  }
0xa5: {  	s26 =	simm.s32 $execute0_lowered;
	[smem:$0x3FD2] =	sst s25  }
0xa6: {  	s5 =	sshll.u32 s26, $0x1;
	_ =	strace $0x80000046;
	[dreg:$0x1] =	wrdreg $0xFFFFFFFF  }
0xa7: {  	s28 =	simm.s32 $_size_execute0_lowered;
	s3 =	sadd.s32 s3, s5;
	[dreg:$0x0] =	wrdreg $0x0  }
0xa8: {  	s5 =	sshll.u32 s28, $0x1;
	[dreg:$0x2] =	wrdreg s3  }
0xa9: {  	[dreg:$0x3] =	wrdreg s5  }
0xaa: {  	[dreg:$0x4] =	wrdreg $0xC0  }
0xab: {  	_ =	task [dreg:s7], $0x5FFFF  }
0xac: {  	[dreg:$0x1] =	wrdreg $0xFFFFFFFF  }
0xad: {  	[dreg:$0x0] =	wrdreg $0x60  }
0xae: {  	[dreg:$0x2] =	wrdreg s2  }
0xaf: {  	[dreg:$0x3] =	wrdreg s24  }
0xb0: {  	[dreg:$0x4] =	wrdreg $0x9  }
0xb1: {  	_ =	task.clear_ibuf [dreg:s7], $0x5FFFF;
	_ =	strace $0x90000046  }
0xb2: {  	s29 =	simm.s32 $0x9;
	_ =	strace $0x80000048  }
0xb3: {  	_ =	swait.ge [sflag:s29], $0x1  }
0xb4: {  	[sflag:s29] =	ssyncadd.s32 $0xFFFFFFFF  }
0xb5: {  	_ =	strace $0x90000048  }
0xb6: {  	_ =	sfence  }
0xb7: {  	s30 =	sld [smem:$0x0];
	_ =	sdelay $0x2  }
0xb8: {  	s31 =	sshll.u32 s1, $0xD;
	s1 =	sshrl.u32 s1, $0x2  }
0xb9: {  	s3 =	sand.u32 $0x4000, s31;
	s1 =	sadd.s32 s1, s30  }
0xba: {  	s0 =	sor.u32 s3, s0;
	s1 =	sshll.u32 s1, $0x11  }
0xbb: {  	s0 =	sor.u32 s1, s0  }
0xbc: {  	s0 =	sadd.s32 $0x8F2B, s0  }
0xbd: {  	[sflag:s0] =	ssyncadd.remote.s32 $0x1  }
0xbe: {  	_ =	sfence.sel $0xFFFF  }
0xbf: {  	[dreg:$0x0] =	wrdreg $0xFFFFFFFF;
	(pc) =	sbr.abs _section_cstart, $3  }
0xc0: {  	[dreg:$0x1] =	wrdreg $0xFFFFFFFF  }
0xc1: {  	_ =	task.clear_ibuf [dreg:s7], $0x2FFFF;
	_ =	strace $0x9FFFFFFF  }
0xc2: {  	(tm) =	ssettm $0x7FFFFFFF  }
0xc3: {  	_ =	shalt  }
tec
execute0_lowered:
.L_overlay_start_1:
0x0: {  	(tag) =	ssettag $0x1  }
0x1: {  	s1 =	srdreg.scid;
	s2 =	rddreg [dreg:$0x0]  }
0x2: {  	s0 =	stileid.u32;
	s5 =	rddreg [dreg:$0x1];
	s6 =	simm.s32 $0x1  }
0x3: {  	s9 =	simm.s32 $0x1;
	s10 =	simm.s32 $0x3;
	s1 =	sshll.u32 s1, $0x6  }
0x4: {  	s13 =	simm.s32 $0x0;
	s3 =	sshll.u32 s0, $0x7;
	s4 =	sand.u32 $0x40, s1  }
0x5: {  	s12 =	simm.s32 $0x0;
	s1 =	rddreg [dreg:$0x2];
	s3 =	sor.u32 s3, s4  }
0x6: {  	_ =	strace $0x80000047;
	s4 =	sadd.s32 $0x2000, s5;
	s8 =	ssub.s32 $0x1000, s3  }
.Ltmp0:
0x7: {  	s5 =	sadd.s32 $0x1000, s5;
	s7 =	sand.u32 $0x7C0, s8;
	(pc) =	sbr.rel .LBB2_1-.Ltmp0, $4  }
0x8: {  	[sflag:s6] =	ssyncpa.u1 $0x0;
	s11 =	smov.u32 s3;
	p0 =	sne.s32 s7, $0x0  }
0x9: {  	s8 =	sshrl.u32 s8, $0xB;
	s7 =	simm.s32 $0x2;
	s9 =	simm.s32 @!p0 $0x0  }
0xa: {  	[sflag:s7] =	ssyncpa.u1 $0x0;
	p0 =	por $0x0, $0x0;
	s8 =	sadd.s32 s9, s8  }
0xb: {  	vm0 =	vmmov $0xffff;
	[sflag:s10] =	ssyncpa.u1 $0x0;
	s10 =	simm.s32 $0x0;
	s9 =	sadd.s32 $0x1, s8  }
.LBB2_4:
0xc: {  	v1 =	vsel vm1, $0xFFFFFFFF, v1;
	v2 =	vand.u32 $0x7, v2  }
0xd: {  	v2 =	vsel vm1, $0xFFFFFFFF, v2;
	v3 =	vshll.u32 v1, $0x3  }
0xe: {  	v4 =	vand.u32 $0xFFFF8000, v2;
	v3 =	vand.u32 $0xFFFFFC00, v3;
	v2 =	vshll.u32 v2, $0x7  }
0xf: {  	v3 =	vadd.s32 v3, v4;
	v2 =	vand.u32 $0x380, v2  }
0x10: {  	v1 =	vand.u32 $0x7F, v1;
	v2 =	vor.u32 v2, v3  }
0x11: {  	v1 =	vor.u32 v1, v2;
	_ =	sdelay $0x1  }
0x12: {  	(ifvalue) =	ssetifvalue $0x7FFFFFFF;
	s15 =	sadd.s32 $0x10, s15  }
0x13: {  	[tilespmem:s15], [sflag:$0x1] =	stream.indirect_vreg.gather [hbm4b:s2+s10], $0x1, v0, vm0, $0x4038;
	[tilespmem:$0x100] =	vst v63  }
0x14: {  	(ifvalue) =	ssetifvalue $0x7FFFFFFF;
	s15 =	sadd.s32 $0x10, s15  }
0x15: {  	[tilespmem:s15], [sflag:$0x1] =	stream.indirect_vreg.gather [hbm4b:s2+s10], $0x1, v1, vm0, $0x4038;
	[tilespmem:$0x100] =	vst v63  }
0x16: {  	_ =	swait.ge [sflag:s6], $0x40  }
0x17: {  	s30 =	sshrl.u32 s13, $0x3;
	[sflag:s6] =	ssyncset.done $0x0  }
0x18: {  	s31 =	sand.u32 $0x7, s13;
	s15 =	sadd.s32 s5, s30;
	[sflag:s6] =	ssyncadd.s32 $0xFFFFFFC0  }
0x19: {  	[hbm4b:s15+s31] =	stream.linear.scatter [tilespmem:s14], [sflag:$0x3], $0x40, $0x38;
	[tilespmem:$0x100] =	vst v63  }
.LBB2_5:
0x1a: {  	s15 =	sadd.s32 $0x800, s11  }
0x1b: {  	p2 =	sgt.s32 s15, $0xFFF  }
0x1c: {  	s15 =	smov.u32 @p2 s3;
	p2 =	sne.s32 s12, s9  }
.Ltmp1:
0x1d: {  	p1 =	slt.u32 s12, $0x2;
	(pc) =	sbr.rel @!p2 .LBB2_6-.Ltmp1, $4  }
0x1e: {  	s14 =	simm.s32 @!p1 $0x3  }
0x1f: {  	s16 =	sadd.s32 $0x1, s12;
	_ =	swait.ge @!p1 [sflag:s14], $0x40  }
0x20: {  	s13 =	smov.u32 s11;
	p0 =	por !p0, !p0;
	[sflag:s14] =	ssyncset.done @!p1 $0x0  }
0x21: {  	s12 =	smov.u32 s16;
	s11 =	smov.u32 s15;
	[sflag:s14] =	ssyncadd.s32 @!p1 $0xFFFFFFC0  }
.LBB2_1:
0x22: {  	p1 =	sge.u32 s12, s8  }
0x23: {  	s14 =	sxor.u32 @!p1 $0xFFFFFFFF, s12  }
0x24: {  	s31 =	sadd.s32 $0xFFFFFFFF, s12;
	s15 =	sshrl.u32 @!p1 s11, $0x3;
	s14 =	sshll.u32 @!p1 s14, $0x6  }
0x25: {  	s16 =	sand.u32 @!p1 $0x7, s11;
	s15 =	sadd.s32 @!p1 s4, s15;
	s14 =	sand.u32 @!p1 $0x40, s14  }
0x26: {  	[tilespmem:s14], [sflag:$0x2] =	stream.linear.gather @!p1 [hbm4b:s15+s16], $0x40, $0x38;
	[tilespmem:$0x100] =	vst v63  }
0x27: {  	p1 =	sge.u32 s31, s8  }
.Ltmp2:
0x28: {  	_ = 	snop;
	(pc) =	sbr.rel @p1 .LBB2_5-.Ltmp2, $1  }
0x29: {  	_ =	sdelay $0x3  }
0x2a: {  	s14 =	simm.s32 $0x1  }
0x2b: {  	_ =	swait.ge [sflag:s7], $0x40;
	s14 =	simm.s32 @!p0 $0x0  }
0x2c: {  	[sflag:s7] =	ssyncset.done $0x0;
	s14 =	sshll.u32 s14, $0x6  }
0x2d: {  	[sflag:s7] =	ssyncadd.s32 $0xFFFFFFC0;
	(ifvalue) =	ssetifvalue $0x7FFFFFFF;
	v0 =	vld.msk [tilespmem:s14+$0x0 ss:$0x1], $0xffff;
	_ =	sdelay $0x3  }
0x2e: {  	s15 =	sadd.s32 $0x10, s14  }
0x2f: {  	v2 =	vld.msk [tilespmem:s15+$0x0 ss:$0x1], $0xffff;
	vm1 =	veq.s32 v0, $0x80000000;
	v1 =	vand.u32 $0xFFF, v0;
	v0 =	vshrl.u32 v0, $0xC  }
0x30: {  	v1 =	vsel vm1, $0xFFFFFFFF, v1;
	v0 =	vand.u32 $0x7, v0  }
0x31: {  	v0 =	vsel vm1, $0xFFFFFFFF, v0;
	v3 =	vshll.u32 v1, $0x3  }
0x32: {  	v4 =	vand.u32 $0xFFFF8000, v0;
	v3 =	vand.u32 $0xFFFFFC00, v3;
	v0 =	vshll.u32 v0, $0x7  }
0x33: {  	v3 =	vadd.s32 v3, v4;
	v0 =	vand.u32 $0x380, v0  }
0x34: {  	v1 =	vand.u32 $0x7F, v1;
	vm1 =	veq.s32 v2, $0x80000000;
	v0 =	vor.u32 v0, v3  }
0x35: {  	v0 =	vor.u32 v1, v0;
	v1 =	vand.u32 $0xFFF, v2;
	v2 =	vshrl.u32 v2, $0xC  }
0x36: {  	s17 =	sadd.s32 $0x10, s15;
	v1 =	vsel vm1, $0xFFFFFFFF, v1;
	v2 =	vand.u32 $0x7, v2  }
0x37: {  	v3 =	vld.msk [tilespmem:s17+$0x0 ss:$0x1], $0xffff;
	v2 =	vsel vm1, $0xFFFFFFFF, v2;
	v63 =	vshll.u32 v1, $0x3  }
0x38: {  	v5 =	vand.u32 $0xFFFF8000, v2;
	v4 =	vand.u32 $0xFFFFFC00, v63;
	v2 =	vshll.u32 v2, $0x7  }
0x39: {  	s31 =	sshll.u32 s12, $0x6;
	s15 =	sor.u32 $0x80, s14;
	(ifvalue) =	ssetifvalue $0x7FFFFFFF;
	v4 =	vadd.s32 v4, v5;
	v2 =	vand.u32 $0x380, v2  }
0x3a: {  	[tilespmem:s15], [sflag:$0x1] =	stream.indirect_vreg.gather [hbm4b:s2+s10], $0x1, v0, vm0, $0x4038;
	v0 =	vand.u32 $0x7F, v1;
	v1 =	vor.u32 v2, v4;
	[tilespmem:$0x100] =	vst v63  }
0x3b: {  	s14 =	sand.u32 $0x40, s31;
	v0 =	vor.u32 v0, v1  }
0x3c: {  	s16 =	simm.s32 $0x20;
	s14 =	sor.u32 $0x80, s14;
	s17 =	sadd.s32 $0x10, s17;
	vm1 =	veq.s32 v3, $0x80000000;
	v2 =	vshrl.u32 v3, $0xC;
	v1 =	vand.u32 $0xFFF, v3  }
.LBB2_3:
0x3d: {  	v3 =	vld.msk [tilespmem:s17+$0x0 ss:$0x1], $0xffff;
	s16 =	sadd.s32 $0x10, s16;
	v1 =	vsel vm1, $0xFFFFFFFF, v1;
	v2 =	vand.u32 $0x7, v2  }
0x3e: {  	p1 =	slt.u32 s16, $0x30;
	v2 =	vsel vm1, $0xFFFFFFFF, v2;
	v4 =	vshll.u32 v1, $0x3  }
.Ltmp3:
0x3f: {  	s15 =	sadd.s32 $0x10, s15;
	v5 =	vand.u32 $0xFFFF8000, v2;
	v4 =	vand.u32 $0xFFFFFC00, v4;
	v2 =	vshll.u32 v2, $0x7;
	(ifvalue) =	ssetifvalue $0x7FFFFFFF;
	(pc) =	sbr.rel @p1 .LBB2_3-.Ltmp3, $4  }
0x40: {  	v4 =	vadd.s32 v4, v5;
	v2 =	vand.u32 $0x380, v2;
	[tilespmem:s15], [sflag:$0x1] =	stream.indirect_vreg.gather [hbm4b:s2+s10], $0x1, v0, vm0, $0x4038;
	[tilespmem:$0x100] =	vst v63  }
0x41: {  	v0 =	vand.u32 $0x7F, v1;
	v1 =	vor.u32 v2, v4  }
0x42: {  	v0 =	vor.u32 v0, v1  }
0x43: {  	s17 =	sadd.s32 $0x10, s17;
	vm1 =	veq.s32 v3, $0x80000000;
	v1 =	vand.u32 $0xFFF, v3;
	v2 =	vshrl.u32 v3, $0xC  }
.Ltmp4:
0x44: {  	_ = 	snop;
	(pc) =	sbr.rel .LBB2_4-.Ltmp4, $1  }
0x45: {  	_ =	sdelay $0x3  }
.LBB2_6:
0x46: {  	_ =	sfence.sel $0x180000  }
0x47: {  	s2 =	simm.s32 $0x2;
	[bflag:$0x0] =	sbarrier.arrive $0xFFFF  }
0x48: {  	s30 =	simm.s32 $0x3;
	[sflag:s2] =	ssyncpa.u1 $0x1  }
0x49: {  	s31 =	simm.s32 $0x1;
	[sflag:s30] =	ssyncpa.u1 $0x1  }
0x4a: {  	[sflag:s31] =	ssyncpa.u1 $0x1  }
0x4b: {  	p0 =	sne.s32 s0, $0x0;
	_ =	strace $0x90000047  }
0x4c: {  	s0 =	sadd.s32 @!p0 $0x100000, s1;
	[bflag:$0x2] =	sbarrier.arrive $0xFFFF  }
0x4d: {  	[sflag:s0] =	ssyncadd.tile.s32 @!p0 $0x1;
	_ =	shalt  }
.Lfunc_end2:
_tile_overlayer_lowered:
.L_overlay_start_2:
0x4e: {  	(tag) =	ssettag $0x2  }
0x4f: {  	s0 =	rddreg [dreg:$0x0];
	s2 =	stileid.u32  }
0x50: {  	s1 =	rddreg [dreg:$0x1];
	p0 =	sne.s32 s2, $0x0  }
0x51: {  	s3 =	rddreg [dreg:$0x2];
	[bflag:$0x3] =	sbarrier.arrive $0xFFFF;
	s2 =	simm.s32 @!p0 $0x1C01  }
0x52: {  	[timem:s3], [sflag:s2] =	dma.local @!p0 [hbm:s0], s1  }
0x53: {  	s0 =	simm.s32 @!p0 $0x1  }
0x54: {  	_ =	swait.ge @!p0 [sflag:s0], s1  }
0x55: {  	s1 =	ssub.s32 @!p0 $0x0, s1;
	[sflag:s0] =	ssyncset.done @!p0 $0x0  }
0x56: {  	[sflag:s0] =	ssyncadd.s32 @!p0 s1  }
0x57: {  	[bflag:$0x3] =	sbarrier.arrive $0xFFFF  }
0x58: {  	_ =	shalt  }

// kernel: gather_offload_async_start
scs
__scs_entry_jumppad:
0x0: {  	(pc) =	sbr.rel $0x88, $3  }
0x1: {  	(tag) =	ssettag $0x0;
	lr =	simm.s32 $0x1  }
0x2: {  	[smem:$0x3F98] =	sst lr;
	_ =	strace $0xD0000000  }
0x3: {  	_ = 	snop  }
0x4: {  	_ = 	snop  }
0x5: {  	_ = 	snop  }
0x6: {  	_ = 	snop  }
0x7: {  	_ = 	snop  }
__scs_overlays_trampoline_lowered:
0x8: {  	[smem:$0x3FA7] =	sst s0  }
0x9: {  	[smem:$0x3FA8] =	sst s1  }
0xa: {  	[smem:$0x3FA9] =	sst s2  }
0xb: {  	[smem:$0x3FAA] =	sst s3  }
0xc: {  	[smem:$0x3FAB] =	sst s4  }
0xd: {  	[smem:$0x3FAC] =	sst s5  }
0xe: {  	[smem:$0x3FAD] =	sst s6  }
0xf: {  	[smem:$0x3FAE] =	sst s7  }
0x10: {  	[smem:$0x3FAF] =	sst s8  }
0x11: {  	[smem:$0x3FB0] =	sst s9;
	s0 =	simm.s32 @!p0 $0x0  }
0x12: {  	s1 =	sld [smem:$0x3F96];
	s0 =	simm.s32 @p0 $0x1  }
0x13: {  	[smem:$0x3FB1] =	sst s0;
	s0 =	simm.s32 @!p1 $0x0  }
0x14: {  	s2 =	sld [smem:$0x3F95];
	s0 =	simm.s32 @p1 $0x1  }
0x15: {  	[smem:$0x3FB2] =	sst s0;
	s0 =	simm.s32 @!p2 $0x0  }
0x16: {  	s3 =	sld [smem:$0x3FDB];
	s0 =	simm.s32 @p2 $0x1  }
0x17: {  	s4 =	simm.s32 $0x1BF5;
	[smem:$0x3FB4] =	sst s0  }
0x18: {  	s0 =	sld [smem:$0x3F97];
	_ =	swait.ge [sflag:s4], $0x0  }
0x19: {  	s7 =	sld [smem:$0x3F98]  }
0x1a: {  	s8 =	sadd.s32 $0xFFFFE003, lr  }
0x1b: {  	s9 =	sadd.s32 $0xFFFFFEF7, lr;
	s5 =	simm.s32 $0xFFFFFFFF;
	p2 =	slt.u32 s8, $0xFFFFF086  }
0x1c: {  	p1 =	slt.u32 s9, $0xF7A;
	s5 =	simm.s32 @!p2 $0x0  }
0x1d: {  	s5 =	simm.s32 @p1 $0x1;
	p0 =	seq.s32 s7, s2  }
0x1e: {  	s7 =	smul.u32 @!p0 $0xF7A, s2;
	p2 =	seq.s32 @!p0 s5, $0x0  }
0x1f: {  	s9 =	smul.u32 $0xF7A, s1;
	s8 =	simm.s32 @!p0 $0x1BF5;
	p2 =	por !p2, p0  }
0x20: {  	[sflag:s8] =	ssyncset.s32 @!p0 $0xFFFFF086;
	s6 =	sadd.s32 @!p0 s3, s7;
	s7 =	simm.s32 @!p0 $0x108  }
0x21: {  	s3 =	sadd.s32 s3, s9;
	s6 =	sadd.s32 @!p0 $0x88, s6;
	s7 =	simm.s32 @p2 $0x1082  }
0x22: {  	[simem:s7], [sflag:s8] =	dma.local @!p0 [hbm:s6], $0xF7A  }
0x23: {  	s9 =	sor.u32 $0xD0000000, s2;
	s6 =	simm.s32 $0x108;
	_ =	swait.ge @!p0 [sflag:s8], $0x0  }
0x24: {  	s3 =	sadd.s32 $0x88, s3;
	s6 =	simm.s32 @!p1 $0x1082;
	[sflag:s4] =	ssyncset.s32 $0xFFFFF086  }
0x25: {  	[simem:s6], [sflag:s4] =	dma.local [hbm:s3], $0xF7A  }
0x26: {  	[smem:$0x3F98] =	sst s1;
	(tag) =	ssettag s2;
	_ =	strace s9  }
0x27: {  	s1 =	sld [smem:$0x3FA8]  }
0x28: {  	s2 =	sld [smem:$0x3FA9]  }
0x29: {  	s4 =	sld [smem:$0x3FAB]  }
0x2a: {  	p0 =	seq.s32 s5, $0x0;
	s5 =	sld [smem:$0x3FAC]  }
0x2b: {  	s6 =	sld [smem:$0x3FAD]  }
0x2c: {  	s7 =	sld [smem:$0x3FAE]  }
0x2d: {  	s3 =	simm.s32 $0x108;
	s8 =	sld [smem:$0x3FAF]  }
0x2e: {  	s3 =	simm.s32 @!p0 $0x1082;
	s9 =	sld [smem:$0x3FB0]  }
0x2f: {  	lr =	sadd.s32 s0, s3;
	s0 =	sld [smem:$0x3FA7]  }
0x30: {  	s3 =	sld [smem:$0x3FAA]  }
0x31: {  	[smem:$0x3FB3] =	sst s10  }
0x32: {  	s10 =	sld [smem:$0x3FB1];
	_ =	sdelay $0x3  }
0x33: {  	p0 =	seq.s32 s10, $0x1;
	s10 =	sld [smem:$0x3FB3];
	_ =	sdelay $0x3  }
0x34: {  	[smem:$0x3FB3] =	sst s10  }
0x35: {  	s10 =	sld [smem:$0x3FB2];
	_ =	sdelay $0x3  }
0x36: {  	p1 =	seq.s32 s10, $0x1;
	s10 =	sld [smem:$0x3FB3];
	_ =	sdelay $0x3  }
0x37: {  	[smem:$0x3FB3] =	sst s10  }
0x38: {  	s10 =	sld [smem:$0x3FB4]  }
0x39: {  	_ = 	snop;
	(pc) =	sbr.ind lr, $3  }
0x3a: {  	_ = 	snop  }
0x3b: {  	_ = 	snop  }
0x3c: {  	p2 =	seq.s32 s10, $0x1;
	s10 =	sld [smem:$0x3FB3]  }
0x3d: {  	_ =	shalt  }
0x3e: {  	_ =	shalt  }
0x3f: {  	_ =	shalt  }
0x40: {  	_ =	shalt  }
0x41: {  	_ =	shalt  }
0x42: {  	_ =	shalt  }
0x43: {  	_ =	shalt  }
0x44: {  	_ =	shalt  }
0x45: {  	_ =	shalt  }
0x46: {  	_ =	shalt  }
0x47: {  	_ =	shalt  }
0x48: {  	_ =	shalt  }
0x49: {  	_ =	shalt  }
0x4a: {  	_ =	shalt  }
0x4b: {  	_ =	shalt  }
0x4c: {  	_ =	shalt  }
0x4d: {  	_ =	shalt  }
0x4e: {  	_ =	shalt  }
0x4f: {  	_ =	shalt  }
0x50: {  	_ =	shalt  }
0x51: {  	_ =	shalt  }
0x52: {  	_ =	shalt  }
0x53: {  	_ =	shalt  }
0x54: {  	_ =	shalt  }
0x55: {  	_ =	shalt  }
0x56: {  	_ =	shalt  }
0x57: {  	_ =	shalt  }
0x58: {  	_ =	shalt  }
0x59: {  	_ =	shalt  }
0x5a: {  	_ =	shalt  }
0x5b: {  	_ =	shalt  }
0x5c: {  	_ =	shalt  }
0x5d: {  	_ =	shalt  }
0x5e: {  	_ =	shalt  }
0x5f: {  	_ =	shalt  }
0x60: {  	_ =	shalt  }
0x61: {  	_ =	shalt  }
0x62: {  	_ =	shalt  }
0x63: {  	_ =	shalt  }
0x64: {  	_ =	shalt  }
0x65: {  	_ =	shalt  }
0x66: {  	_ =	shalt  }
0x67: {  	_ =	shalt  }
0x68: {  	_ =	shalt  }
0x69: {  	_ =	shalt  }
0x6a: {  	_ =	shalt  }
0x6b: {  	_ =	shalt  }
0x6c: {  	_ =	shalt  }
0x6d: {  	_ =	shalt  }
0x6e: {  	_ =	shalt  }
0x6f: {  	_ =	shalt  }
0x70: {  	_ =	shalt  }
0x71: {  	_ =	shalt  }
0x72: {  	_ =	shalt  }
0x73: {  	_ =	shalt  }
0x74: {  	_ =	shalt  }
0x75: {  	_ =	shalt  }
0x76: {  	_ =	shalt  }
0x77: {  	_ =	shalt  }
0x78: {  	_ =	shalt  }
0x79: {  	_ =	shalt  }
0x7a: {  	_ =	shalt  }
0x7b: {  	_ =	shalt  }
0x7c: {  	_ =	shalt  }
0x7d: {  	_ =	shalt  }
0x7e: {  	_ =	shalt  }
0x7f: {  	_ =	shalt  }
0x80: {  	_ =	shalt  }
0x81: {  	_ =	shalt  }
0x82: {  	_ =	shalt  }
0x83: {  	_ =	shalt  }
0x84: {  	_ =	shalt  }
0x85: {  	_ =	shalt  }
0x86: {  	_ =	shalt  }
0x87: {  	_ =	shalt  }
.Lfunc_end0:
.L_simem_size_0:
called_computation_lowered:
.L_overlay_start_0:
0x88: {  	s2 =	sld [smem:$0x3FD9]  }
0x89: {  	s3 =	sld [smem:$0x3FFE];
	_ =	sdelay $0x1  }
0x8a: {  	s1 =	srdreg.scid  }
0x8b: {  	s0 =	sand.u32 $0x1, s1  }
0x8c: {  	s17 =	sshll.u32 s0, $0xA;
	s2 =	sadd.s32 s3, s2  }
0x8d: {  	s2 =	sadd.s32 s2, s17  }
0x8e: {  	[smem:$0x3FBF] =	sst s2  }
0x8f: {  	_ = 	snop  }
0x90: {  	s2 =	sld [smem:$0x3FD0];
	(tm) =	ssettm $0x1  }
0x91: {  	s18 =	sld [smem:$0x3FFB];
	_ =	sdelay $0x3  }
0x92: {  	_ =	strace s18  }
0x93: {  	s3 =	sld [smem:$0x3FFC];
	_ =	sdelay $0x3  }
0x94: {  	_ =	strace s3  }
0x95: {  	s3 =	sld [smem:$0x3FFD];
	_ =	sdelay $0x3  }
0x96: {  	_ =	strace s3  }
0x97: {  	_ =	strace $0x8FFFFFFF  }
0x98: {  	s19 =	sld [smem:$0x3FDB];
	_ =	sdelay $0x1  }
0x99: {  	s4 =	simm.s32 $_scs_section_size  }
0x9a: {  	s5 =	simm.s32 $_size__tile_overlayer_lowered;
	s6 =	simm.s32 $_tile_overlayer_lowered  }
0x9b: {  	s22 =	simm.s32 $0x1BFF;
	s21 =	sshll.u32 s6, $0x1;
	s3 =	sadd.s32 s4, s19  }
0x9c: {  	s7 =	simm.s32 $0x0;
	s20 =	sshll.u32 s5, $0x1;
	s5 =	sadd.s32 s21, s3  }
0x9d: {  	[timem:s7], [sflag:s22] =	dma.local [hbm:s5], s20  }
0x9e: {  	_ =	swait.ge [sflag:s22], s20  }
0x9f: {  	s4 =	ssub.s32 $0x0, s20;
	[sflag:s22] =	ssyncset.done $0x0  }
0xa0: {  	[sflag:s22] =	ssyncadd.s32 s4;
	_ =	sdelay $0x1  }
0xa1: {  	s23 =	simm.s32 $0x1B8B  }
0xa2: {  	_ =	swait.ge [sflag:s23], $0x1  }
0xa3: {  	[sflag:s23] =	ssyncset.done $0x0  }
0xa4: {  	s25 =	simm.s32 $0x1B8E;
	s24 =	sld [smem:$0x3FFE];
	[sflag:s23] =	ssyncadd.s32 $0xFFFFFFFF  }
0xa5: {  	s26 =	simm.s32 $execute0_lowered;
	[smem:$0x3FD2] =	sst s25  }
0xa6: {  	s5 =	sshll.u32 s26, $0x1;
	_ =	strace $0x8000004C;
	[dreg:$0x1] =	wrdreg $0xFFFFFFFF  }
0xa7: {  	s28 =	simm.s32 $_size_execute0_lowered;
	s3 =	sadd.s32 s3, s5;
	[dreg:$0x0] =	wrdreg $0x0  }
0xa8: {  	s5 =	sshll.u32 s28, $0x1;
	[dreg:$0x2] =	wrdreg s3  }
0xa9: {  	[dreg:$0x3] =	wrdreg s5  }
0xaa: {  	[dreg:$0x4] =	wrdreg $0xC0  }
0xab: {  	_ =	task [dreg:s7], $0x5FFFF  }
0xac: {  	[dreg:$0x1] =	wrdreg $0xFFFFFFFF  }
0xad: {  	[dreg:$0x0] =	wrdreg $0x60  }
0xae: {  	[dreg:$0x2] =	wrdreg s24  }
0xaf: {  	[dreg:$0x3] =	wrdreg s2  }
0xb0: {  	[dreg:$0x4] =	wrdreg $0x9  }
0xb1: {  	_ =	task.clear_ibuf [dreg:s7], $0x5FFFF;
	_ =	strace $0x9000004C  }
0xb2: {  	s29 =	simm.s32 $0x9;
	_ =	strace $0x8000004E  }
0xb3: {  	_ =	swait.ge [sflag:s29], $0x1  }
0xb4: {  	[sflag:s29] =	ssyncadd.s32 $0xFFFFFFFF  }
0xb5: {  	_ =	strace $0x9000004E  }
0xb6: {  	_ =	sfence  }
0xb7: {  	s30 =	sld [smem:$0x0];
	_ =	sdelay $0x2  }
0xb8: {  	s31 =	sshll.u32 s1, $0xD;
	s1 =	sshrl.u32 s1, $0x2  }
0xb9: {  	s3 =	sand.u32 $0x4000, s31;
	s1 =	sadd.s32 s1, s30  }
0xba: {  	s0 =	sor.u32 s3, s0;
	s1 =	sshll.u32 s1, $0x11  }
0xbb: {  	s0 =	sor.u32 s1, s0  }
0xbc: {  	s0 =	sadd.s32 $0x8F2B, s0  }
0xbd: {  	[sflag:s0] =	ssyncadd.remote.s32 $0x1  }
0xbe: {  	_ =	sfence.sel $0xFFFF  }
0xbf: {  	[dreg:$0x0] =	wrdreg $0xFFFFFFFF;
	(pc) =	sbr.abs _section_cstart, $3  }
0xc0: {  	[dreg:$0x1] =	wrdreg $0xFFFFFFFF  }
0xc1: {  	_ =	task.clear_ibuf [dreg:s7], $0x2FFFF;
	_ =	strace $0x9FFFFFFF  }
0xc2: {  	(tm) =	ssettm $0x7FFFFFFF  }
0xc3: {  	_ =	shalt  }
tec
execute0_lowered:
.L_overlay_start_1:
0x0: {  	(tag) =	ssettag $0x1  }
0x1: {  	s1 =	srdreg.scid;
	s2 =	rddreg [dreg:$0x0]  }
0x2: {  	s0 =	stileid.u32;
	s3 =	rddreg [dreg:$0x1]  }
0x3: {  	s6 =	simm.s32 $0x1;
	s9 =	simm.s32 $0x1;
	s1 =	sshll.u32 s1, $0x6  }
0x4: {  	s10 =	simm.s32 $0x3;
	s4 =	sshll.u32 s0, $0x7;
	s5 =	sand.u32 $0x40, s1  }
0x5: {  	s13 =	simm.s32 $0x0;
	s12 =	simm.s32 $0x0;
	s4 =	sor.u32 s4, s5  }
0x6: {  	s1 =	rddreg [dreg:$0x2];
	_ =	strace $0x8000004D;
	s8 =	ssub.s32 $0x1000, s4  }
.Ltmp0:
0x7: {  	s5 =	sadd.s32 $0xC1800, s2;
	s7 =	sand.u32 $0x7C0, s8;
	(pc) =	sbr.rel .LBB2_1-.Ltmp0, $4  }
0x8: {  	[sflag:s6] =	ssyncpa.u1 $0x0;
	s11 =	smov.u32 s4;
	p0 =	sne.s32 s7, $0x0  }
0x9: {  	s8 =	sshrl.u32 s8, $0xB;
	s7 =	simm.s32 $0x2;
	s9 =	simm.s32 @!p0 $0x0  }
0xa: {  	[sflag:s7] =	ssyncpa.u1 $0x0;
	p0 =	por $0x0, $0x0;
	s8 =	sadd.s32 s9, s8  }
0xb: {  	vm0 =	vmmov $0xffff;
	[sflag:s10] =	ssyncpa.u1 $0x0;
	s10 =	simm.s32 $0x0;
	s9 =	sadd.s32 $0x1, s8  }
.LBB2_4:
0xc: {  	v1 =	vsel vm1, $0xFFFFFFFF, v1;
	v2 =	vand.u32 $0x7, v2  }
0xd: {  	v2 =	vsel vm1, $0xFFFFFFFF, v2;
	v3 =	vshll.u32 v1, $0x3  }
0xe: {  	v4 =	vand.u32 $0xFFFFC000, v2;
	v3 =	vand.u32 $0xFFFFFC00, v3;
	v2 =	vshll.u32 v2, $0x7  }
0xf: {  	v3 =	vadd.s32 v3, v4;
	v2 =	vand.u32 $0x380, v2  }
0x10: {  	v1 =	vand.u32 $0x7F, v1;
	v2 =	vor.u32 v2, v3  }
0x11: {  	v1 =	vor.u32 v1, v2;
	_ =	sdelay $0x1  }
0x12: {  	(ifvalue) =	ssetifvalue $0x7FFFFFFF;
	s15 =	sadd.s32 $0x10, s15  }
0x13: {  	[tilespmem:s15], [sflag:$0x1] =	stream.indirect_vreg.gather [hbm4b:s2+s10], $0x1, v0, vm0, $0x4038;
	[tilespmem:$0x100] =	vst v63  }
0x14: {  	(ifvalue) =	ssetifvalue $0x7FFFFFFF;
	s15 =	sadd.s32 $0x10, s15  }
0x15: {  	[tilespmem:s15], [sflag:$0x1] =	stream.indirect_vreg.gather [hbm4b:s2+s10], $0x1, v1, vm0, $0x4038;
	[tilespmem:$0x100] =	vst v63  }
0x16: {  	_ =	swait.ge [sflag:s6], $0x40  }
0x17: {  	s30 =	sshrl.u32 s13, $0x3;
	[sflag:s6] =	ssyncset.done $0x0  }
0x18: {  	s31 =	sand.u32 $0x7, s13;
	s15 =	sadd.s32 s3, s30;
	[sflag:s6] =	ssyncadd.s32 $0xFFFFFFC0  }
0x19: {  	[hbm4b:s15+s31] =	stream.linear.scatter [tilespmem:s14], [sflag:$0x3], $0x40, $0x38;
	[tilespmem:$0x100] =	vst v63  }
.LBB2_5:
0x1a: {  	s15 =	sadd.s32 $0x800, s11  }
0x1b: {  	p2 =	sgt.s32 s15, $0xFFF  }
0x1c: {  	s15 =	smov.u32 @p2 s4;
	p2 =	sne.s32 s12, s9  }
.Ltmp1:
0x1d: {  	p1 =	slt.u32 s12, $0x2;
	(pc) =	sbr.rel @!p2 .LBB2_6-.Ltmp1, $4  }
0x1e: {  	s14 =	simm.s32 @!p1 $0x3  }
0x1f: {  	s16 =	sadd.s32 $0x1, s12;
	_ =	swait.ge @!p1 [sflag:s14], $0x40  }
0x20: {  	s13 =	smov.u32 s11;
	p0 =	por !p0, !p0;
	[sflag:s14] =	ssyncset.done @!p1 $0x0  }
0x21: {  	s12 =	smov.u32 s16;
	s11 =	smov.u32 s15;
	[sflag:s14] =	ssyncadd.s32 @!p1 $0xFFFFFFC0  }
.LBB2_1:
0x22: {  	p1 =	sge.u32 s12, s8  }
0x23: {  	s14 =	sxor.u32 @!p1 $0xFFFFFFFF, s12  }
0x24: {  	s31 =	sadd.s32 $0xFFFFFFFF, s12;
	s15 =	sshrl.u32 @!p1 s11, $0x3;
	s14 =	sshll.u32 @!p1 s14, $0x6  }
0x25: {  	s16 =	sand.u32 @!p1 $0x7, s11;
	s15 =	sadd.s32 @!p1 s5, s15;
	s14 =	sand.u32 @!p1 $0x40, s14  }
0x26: {  	[tilespmem:s14], [sflag:$0x2] =	stream.linear.gather @!p1 [hbm4b:s15+s16], $0x40, $0x38;
	[tilespmem:$0x100] =	vst v63  }
0x27: {  	p1 =	sge.u32 s31, s8  }
.Ltmp2:
0x28: {  	_ = 	snop;
	(pc) =	sbr.rel @p1 .LBB2_5-.Ltmp2, $1  }
0x29: {  	_ =	sdelay $0x3  }
0x2a: {  	s14 =	simm.s32 $0x1  }
0x2b: {  	_ =	swait.ge [sflag:s7], $0x40;
	s14 =	simm.s32 @!p0 $0x0  }
0x2c: {  	[sflag:s7] =	ssyncset.done $0x0;
	s14 =	sshll.u32 s14, $0x6  }
0x2d: {  	[sflag:s7] =	ssyncadd.s32 $0xFFFFFFC0;
	(ifvalue) =	ssetifvalue $0x7FFFFFFF;
	v0 =	vld.msk [tilespmem:s14+$0x0 ss:$0x1], $0xffff;
	_ =	sdelay $0x3  }
0x2e: {  	s15 =	sadd.s32 $0x10, s14  }
0x2f: {  	v2 =	vld.msk [tilespmem:s15+$0x0 ss:$0x1], $0xffff;
	vm1 =	veq.s32 v0, $0x80000000;
	v1 =	vand.u32 $0x7FF, v0;
	v0 =	vshrl.u32 v0, $0xB  }
0x30: {  	v1 =	vsel vm1, $0xFFFFFFFF, v1;
	v0 =	vand.u32 $0x7, v0  }
0x31: {  	v0 =	vsel vm1, $0xFFFFFFFF, v0;
	v3 =	vshll.u32 v1, $0x3  }
0x32: {  	v4 =	vand.u32 $0xFFFFC000, v0;
	v3 =	vand.u32 $0xFFFFFC00, v3;
	v0 =	vshll.u32 v0, $0x7  }
0x33: {  	v3 =	vadd.s32 v3, v4;
	v0 =	vand.u32 $0x380, v0  }
0x34: {  	v1 =	vand.u32 $0x7F, v1;
	vm1 =	veq.s32 v2, $0x80000000;
	v0 =	vor.u32 v0, v3  }
0x35: {  	v0 =	vor.u32 v1, v0;
	v1 =	vand.u32 $0x7FF, v2;
	v2 =	vshrl.u32 v2, $0xB  }
0x36: {  	s17 =	sadd.s32 $0x10, s15;
	v1 =	vsel vm1, $0xFFFFFFFF, v1;
	v2 =	vand.u32 $0x7, v2  }
0x37: {  	v3 =	vld.msk [tilespmem:s17+$0x0 ss:$0x1], $0xffff;
	v2 =	vsel vm1, $0xFFFFFFFF, v2;
	v63 =	vshll.u32 v1, $0x3  }
0x38: {  	v5 =	vand.u32 $0xFFFFC000, v2;
	v4 =	vand.u32 $0xFFFFFC00, v63;
	v2 =	vshll.u32 v2, $0x7  }
0x39: {  	s31 =	sshll.u32 s12, $0x6;
	s15 =	sor.u32 $0x80, s14;
	(ifvalue) =	ssetifvalue $0x7FFFFFFF;
	v4 =	vadd.s32 v4, v5;
	v2 =	vand.u32 $0x380, v2  }
0x3a: {  	[tilespmem:s15], [sflag:$0x1] =	stream.indirect_vreg.gather [hbm4b:s2+s10], $0x1, v0, vm0, $0x4038;
	v0 =	vand.u32 $0x7F, v1;
	v1 =	vor.u32 v2, v4;
	[tilespmem:$0x100] =	vst v63  }
0x3b: {  	s14 =	sand.u32 $0x40, s31;
	v0 =	vor.u32 v0, v1  }
0x3c: {  	s16 =	simm.s32 $0x20;
	s14 =	sor.u32 $0x80, s14;
	s17 =	sadd.s32 $0x10, s17;
	vm1 =	veq.s32 v3, $0x80000000;
	v2 =	vshrl.u32 v3, $0xB;
	v1 =	vand.u32 $0x7FF, v3  }
.LBB2_3:
0x3d: {  	v3 =	vld.msk [tilespmem:s17+$0x0 ss:$0x1], $0xffff;
	s16 =	sadd.s32 $0x10, s16;
	v1 =	vsel vm1, $0xFFFFFFFF, v1;
	v2 =	vand.u32 $0x7, v2  }
0x3e: {  	p1 =	slt.u32 s16, $0x30;
	v2 =	vsel vm1, $0xFFFFFFFF, v2;
	v4 =	vshll.u32 v1, $0x3  }
.Ltmp3:
0x3f: {  	s15 =	sadd.s32 $0x10, s15;
	v5 =	vand.u32 $0xFFFFC000, v2;
	v4 =	vand.u32 $0xFFFFFC00, v4;
	v2 =	vshll.u32 v2, $0x7;
	(ifvalue) =	ssetifvalue $0x7FFFFFFF;
	(pc) =	sbr.rel @p1 .LBB2_3-.Ltmp3, $4  }
0x40: {  	v4 =	vadd.s32 v4, v5;
	v2 =	vand.u32 $0x380, v2;
	[tilespmem:s15], [sflag:$0x1] =	stream.indirect_vreg.gather [hbm4b:s2+s10], $0x1, v0, vm0, $0x4038;
	[tilespmem:$0x100] =	vst v63  }
0x41: {  	v0 =	vand.u32 $0x7F, v1;
	v1 =	vor.u32 v2, v4  }
0x42: {  	v0 =	vor.u32 v0, v1  }
0x43: {  	s17 =	sadd.s32 $0x10, s17;
	vm1 =	veq.s32 v3, $0x80000000;
	v1 =	vand.u32 $0x7FF, v3;
	v2 =	vshrl.u32 v3, $0xB  }
.Ltmp4:
0x44: {  	_ = 	snop;
	(pc) =	sbr.rel .LBB2_4-.Ltmp4, $1  }
0x45: {  	_ =	sdelay $0x3  }
.LBB2_6:
0x46: {  	_ =	sfence.sel $0x180000  }
0x47: {  	s2 =	simm.s32 $0x2;
	[bflag:$0x0] =	sbarrier.arrive $0xFFFF  }
0x48: {  	s30 =	simm.s32 $0x3;
	[sflag:s2] =	ssyncpa.u1 $0x1  }
0x49: {  	s31 =	simm.s32 $0x1;
	[sflag:s30] =	ssyncpa.u1 $0x1  }
0x4a: {  	[sflag:s31] =	ssyncpa.u1 $0x1  }
0x4b: {  	p0 =	sne.s32 s0, $0x0;
	_ =	strace $0x9000004D  }
0x4c: {  	s0 =	sadd.s32 @!p0 $0x100000, s1;
	[bflag:$0x2] =	sbarrier.arrive $0xFFFF  }
0x4d: {  	[sflag:s0] =	ssyncadd.tile.s32 @!p0 $0x1;
	_ =	shalt  }
.Lfunc_end2:
_tile_overlayer_lowered:
.L_overlay_start_2:
0x4e: {  	(tag) =	ssettag $0x2  }
0x4f: {  	s0 =	rddreg [dreg:$0x0];
	s2 =	stileid.u32  }
0x50: {  	s1 =	rddreg [dreg:$0x1];
	p0 =	sne.s32 s2, $0x0  }
0x51: {  	s3 =	rddreg [dreg:$0x2];
	[bflag:$0x3] =	sbarrier.arrive $0xFFFF;
	s2 =	simm.s32 @!p0 $0x1C01  }
0x52: {  	[timem:s3], [sflag:s2] =	dma.local @!p0 [hbm:s0], s1  }
0x53: {  	s0 =	simm.s32 @!p0 $0x1  }
0x54: {  	_ =	swait.ge @!p0 [sflag:s0], s1  }
0x55: {  	s1 =	ssub.s32 @!p0 $0x0, s1;
	[sflag:s0] =	ssyncset.done @!p0 $0x0  }
0x56: {  	[sflag:s0] =	ssyncadd.s32 @!p0 s1  }
0x57: {  	[bflag:$0x3] =	sbarrier.arrive $0xFFFF  }
0x58: {  	_ =	shalt  }

// kernel: kernel.6.cloned.1.call-start
scs
__scs_entry_jumppad:
0x0: {  	(pc) =	sbr.rel $0x88, $3  }
0x1: {  	(tag) =	ssettag $0x0;
	lr =	simm.s32 $0x1  }
0x2: {  	[smem:$0x3F98] =	sst lr;
	_ =	strace $0xD0000000  }
0x3: {  	_ = 	snop  }
0x4: {  	_ = 	snop  }
0x5: {  	_ = 	snop  }
0x6: {  	_ = 	snop  }
0x7: {  	_ = 	snop  }
__scs_overlays_trampoline_lowered:
0x8: {  	[smem:$0x3FA7] =	sst s0  }
0x9: {  	[smem:$0x3FA8] =	sst s1  }
0xa: {  	[smem:$0x3FA9] =	sst s2  }
0xb: {  	[smem:$0x3FAA] =	sst s3  }
0xc: {  	[smem:$0x3FAB] =	sst s4  }
0xd: {  	[smem:$0x3FAC] =	sst s5  }
0xe: {  	[smem:$0x3FAD] =	sst s6  }
0xf: {  	[smem:$0x3FAE] =	sst s7  }
0x10: {  	[smem:$0x3FAF] =	sst s8  }
0x11: {  	[smem:$0x3FB0] =	sst s9;
	s0 =	simm.s32 @!p0 $0x0  }
0x12: {  	s1 =	sld [smem:$0x3F96];
	s0 =	simm.s32 @p0 $0x1  }
0x13: {  	[smem:$0x3FB1] =	sst s0;
	s0 =	simm.s32 @!p1 $0x0  }
0x14: {  	s2 =	sld [smem:$0x3F95];
	s0 =	simm.s32 @p1 $0x1  }
0x15: {  	[smem:$0x3FB2] =	sst s0;
	s0 =	simm.s32 @!p2 $0x0  }
0x16: {  	s3 =	sld [smem:$0x3FDB];
	s0 =	simm.s32 @p2 $0x1  }
0x17: {  	s4 =	simm.s32 $0x1BF5;
	[smem:$0x3FB4] =	sst s0  }
0x18: {  	s0 =	sld [smem:$0x3F97];
	_ =	swait.ge [sflag:s4], $0x0  }
0x19: {  	s7 =	sld [smem:$0x3F98]  }
0x1a: {  	s8 =	sadd.s32 $0xFFFFE003, lr  }
0x1b: {  	s9 =	sadd.s32 $0xFFFFFEF7, lr;
	s5 =	simm.s32 $0xFFFFFFFF;
	p2 =	slt.u32 s8, $0xFFFFF086  }
0x1c: {  	p1 =	slt.u32 s9, $0xF7A;
	s5 =	simm.s32 @!p2 $0x0  }
0x1d: {  	s5 =	simm.s32 @p1 $0x1;
	p0 =	seq.s32 s7, s2  }
0x1e: {  	s7 =	smul.u32 @!p0 $0xF7A, s2;
	p2 =	seq.s32 @!p0 s5, $0x0  }
0x1f: {  	s9 =	smul.u32 $0xF7A, s1;
	s8 =	simm.s32 @!p0 $0x1BF5;
	p2 =	por !p2, p0  }
0x20: {  	[sflag:s8] =	ssyncset.s32 @!p0 $0xFFFFF086;
	s6 =	sadd.s32 @!p0 s3, s7;
	s7 =	simm.s32 @!p0 $0x108  }
0x21: {  	s3 =	sadd.s32 s3, s9;
	s6 =	sadd.s32 @!p0 $0x88, s6;
	s7 =	simm.s32 @p2 $0x1082  }
0x22: {  	[simem:s7], [sflag:s8] =	dma.local @!p0 [hbm:s6], $0xF7A  }
0x23: {  	s9 =	sor.u32 $0xD0000000, s2;
	s6 =	simm.s32 $0x108;
	_ =	swait.ge @!p0 [sflag:s8], $0x0  }
0x24: {  	s3 =	sadd.s32 $0x88, s3;
	s6 =	simm.s32 @!p1 $0x1082;
	[sflag:s4] =	ssyncset.s32 $0xFFFFF086  }
0x25: {  	[simem:s6], [sflag:s4] =	dma.local [hbm:s3], $0xF7A  }
0x26: {  	[smem:$0x3F98] =	sst s1;
	(tag) =	ssettag s2;
	_ =	strace s9  }
0x27: {  	s1 =	sld [smem:$0x3FA8]  }
0x28: {  	s2 =	sld [smem:$0x3FA9]  }
0x29: {  	s4 =	sld [smem:$0x3FAB]  }
0x2a: {  	p0 =	seq.s32 s5, $0x0;
	s5 =	sld [smem:$0x3FAC]  }
0x2b: {  	s6 =	sld [smem:$0x3FAD]  }
0x2c: {  	s7 =	sld [smem:$0x3FAE]  }
0x2d: {  	s3 =	simm.s32 $0x108;
	s8 =	sld [smem:$0x3FAF]  }
0x2e: {  	s3 =	simm.s32 @!p0 $0x1082;
	s9 =	sld [smem:$0x3FB0]  }
0x2f: {  	lr =	sadd.s32 s0, s3;
	s0 =	sld [smem:$0x3FA7]  }
0x30: {  	s3 =	sld [smem:$0x3FAA]  }
0x31: {  	[smem:$0x3FB3] =	sst s10  }
0x32: {  	s10 =	sld [smem:$0x3FB1];
	_ =	sdelay $0x3  }
0x33: {  	p0 =	seq.s32 s10, $0x1;
	s10 =	sld [smem:$0x3FB3];
	_ =	sdelay $0x3  }
0x34: {  	[smem:$0x3FB3] =	sst s10  }
0x35: {  	s10 =	sld [smem:$0x3FB2];
	_ =	sdelay $0x3  }
0x36: {  	p1 =	seq.s32 s10, $0x1;
	s10 =	sld [smem:$0x3FB3];
	_ =	sdelay $0x3  }
0x37: {  	[smem:$0x3FB3] =	sst s10  }
0x38: {  	s10 =	sld [smem:$0x3FB4]  }
0x39: {  	_ = 	snop;
	(pc) =	sbr.ind lr, $3  }
0x3a: {  	_ = 	snop  }
0x3b: {  	_ = 	snop  }
0x3c: {  	p2 =	seq.s32 s10, $0x1;
	s10 =	sld [smem:$0x3FB3]  }
0x3d: {  	_ =	shalt  }
0x3e: {  	_ =	shalt  }
0x3f: {  	_ =	shalt  }
0x40: {  	_ =	shalt  }
0x41: {  	_ =	shalt  }
0x42: {  	_ =	shalt  }
0x43: {  	_ =	shalt  }
0x44: {  	_ =	shalt  }
0x45: {  	_ =	shalt  }
0x46: {  	_ =	shalt  }
0x47: {  	_ =	shalt  }
0x48: {  	_ =	shalt  }
0x49: {  	_ =	shalt  }
0x4a: {  	_ =	shalt  }
0x4b: {  	_ =	shalt  }
0x4c: {  	_ =	shalt  }
0x4d: {  	_ =	shalt  }
0x4e: {  	_ =	shalt  }
0x4f: {  	_ =	shalt  }
0x50: {  	_ =	shalt  }
0x51: {  	_ =	shalt  }
0x52: {  	_ =	shalt  }
0x53: {  	_ =	shalt  }
0x54: {  	_ =	shalt  }
0x55: {  	_ =	shalt  }
0x56: {  	_ =	shalt  }
0x57: {  	_ =	shalt  }
0x58: {  	_ =	shalt  }
0x59: {  	_ =	shalt  }
0x5a: {  	_ =	shalt  }
0x5b: {  	_ =	shalt  }
0x5c: {  	_ =	shalt  }
0x5d: {  	_ =	shalt  }
0x5e: {  	_ =	shalt  }
0x5f: {  	_ =	shalt  }
0x60: {  	_ =	shalt  }
0x61: {  	_ =	shalt  }
0x62: {  	_ =	shalt  }
0x63: {  	_ =	shalt  }
0x64: {  	_ =	shalt  }
0x65: {  	_ =	shalt  }
0x66: {  	_ =	shalt  }
0x67: {  	_ =	shalt  }
0x68: {  	_ =	shalt  }
0x69: {  	_ =	shalt  }
0x6a: {  	_ =	shalt  }
0x6b: {  	_ =	shalt  }
0x6c: {  	_ =	shalt  }
0x6d: {  	_ =	shalt  }
0x6e: {  	_ =	shalt  }
0x6f: {  	_ =	shalt  }
0x70: {  	_ =	shalt  }
0x71: {  	_ =	shalt  }
0x72: {  	_ =	shalt  }
0x73: {  	_ =	shalt  }
0x74: {  	_ =	shalt  }
0x75: {  	_ =	shalt  }
0x76: {  	_ =	shalt  }
0x77: {  	_ =	shalt  }
0x78: {  	_ =	shalt  }
0x79: {  	_ =	shalt  }
0x7a: {  	_ =	shalt  }
0x7b: {  	_ =	shalt  }
0x7c: {  	_ =	shalt  }
0x7d: {  	_ =	shalt  }
0x7e: {  	_ =	shalt  }
0x7f: {  	_ =	shalt  }
0x80: {  	_ =	shalt  }
0x81: {  	_ =	shalt  }
0x82: {  	_ =	shalt  }
0x83: {  	_ =	shalt  }
0x84: {  	_ =	shalt  }
0x85: {  	_ =	shalt  }
0x86: {  	_ =	shalt  }
0x87: {  	_ =	shalt  }
.Lfunc_end0:
.L_simem_size_0:
called_computation.2_lowered:
.L_overlay_start_0:
0x88: {  	s2 =	sld [smem:$0x3FD9]  }
0x89: {  	s3 =	sld [smem:$0x3FFE];
	_ =	sdelay $0x1  }
0x8a: {  	s1 =	srdreg.scid  }
0x8b: {  	s0 =	sand.u32 $0x1, s1  }
0x8c: {  	s17 =	sshll.u32 s0, $0xA;
	s2 =	sadd.s32 s3, s2  }
0x8d: {  	s2 =	sadd.s32 s2, s17  }
0x8e: {  	[smem:$0x3FBF] =	sst s2  }
0x8f: {  	_ = 	snop  }
0x90: {  	s2 =	sld [smem:$0x3FC9];
	(tm) =	ssettm $0x1  }
0x91: {  	s18 =	sld [smem:$0x3FFB];
	_ =	sdelay $0x3  }
0x92: {  	_ =	strace s18  }
0x93: {  	s3 =	sld [smem:$0x3FFC];
	_ =	sdelay $0x3  }
0x94: {  	_ =	strace s3  }
0x95: {  	s3 =	sld [smem:$0x3FFD];
	_ =	sdelay $0x3  }
0x96: {  	_ =	strace s3  }
0x97: {  	_ =	strace $0x8FFFFFFF  }
0x98: {  	s19 =	sld [smem:$0x3FDB];
	_ =	sdelay $0x1  }
0x99: {  	s4 =	simm.s32 $_scs_section_size  }
0x9a: {  	s5 =	simm.s32 $_size__tile_overlayer_lowered;
	s6 =	simm.s32 $_tile_overlayer_lowered  }
0x9b: {  	s22 =	simm.s32 $0x1BFF;
	s21 =	sshll.u32 s6, $0x1;
	s3 =	sadd.s32 s4, s19  }
0x9c: {  	s7 =	simm.s32 $0x0;
	s20 =	sshll.u32 s5, $0x1;
	s5 =	sadd.s32 s21, s3  }
0x9d: {  	[timem:s7], [sflag:s22] =	dma.local [hbm:s5], s20  }
0x9e: {  	_ =	swait.ge [sflag:s22], s20  }
0x9f: {  	s4 =	ssub.s32 $0x0, s20;
	[sflag:s22] =	ssyncset.done $0x0  }
0xa0: {  	[sflag:s22] =	ssyncadd.s32 s4;
	_ =	sdelay $0x1  }
0xa1: {  	s23 =	simm.s32 $0x1B8B  }
0xa2: {  	_ =	swait.ge [sflag:s23], $0x1  }
0xa3: {  	[sflag:s23] =	ssyncset.done $0x0  }
0xa4: {  	s25 =	simm.s32 $0x1B8E;
	s24 =	sld [smem:$0x3FFE];
	[sflag:s23] =	ssyncadd.s32 $0xFFFFFFFF  }
0xa5: {  	s26 =	simm.s32 $execute0_lowered;
	[smem:$0x3FD2] =	sst s25  }
0xa6: {  	s5 =	sshll.u32 s26, $0x1;
	_ =	strace $0x80000049;
	[dreg:$0x1] =	wrdreg $0xFFFFFFFF  }
0xa7: {  	s28 =	simm.s32 $_size_execute0_lowered;
	s3 =	sadd.s32 s3, s5;
	[dreg:$0x0] =	wrdreg $0x0  }
0xa8: {  	s5 =	sshll.u32 s28, $0x1;
	[dreg:$0x2] =	wrdreg s3  }
0xa9: {  	[dreg:$0x3] =	wrdreg s5  }
0xaa: {  	[dreg:$0x4] =	wrdreg $0xC0  }
0xab: {  	_ =	task [dreg:s7], $0x5FFFF  }
0xac: {  	[dreg:$0x1] =	wrdreg $0xFFFFFFFF  }
0xad: {  	[dreg:$0x0] =	wrdreg $0x60  }
0xae: {  	[dreg:$0x2] =	wrdreg s2  }
0xaf: {  	[dreg:$0x3] =	wrdreg s24  }
0xb0: {  	[dreg:$0x4] =	wrdreg $0x9  }
0xb1: {  	_ =	task.clear_ibuf [dreg:s7], $0x5FFFF;
	_ =	strace $0x90000049  }
0xb2: {  	s29 =	simm.s32 $0x9;
	_ =	strace $0x8000004B  }
0xb3: {  	_ =	swait.ge [sflag:s29], $0x1  }
0xb4: {  	[sflag:s29] =	ssyncadd.s32 $0xFFFFFFFF  }
0xb5: {  	_ =	strace $0x9000004B  }
0xb6: {  	_ =	sfence  }
0xb7: {  	s30 =	sld [smem:$0x0];
	_ =	sdelay $0x2  }
0xb8: {  	s31 =	sshll.u32 s1, $0xD;
	s1 =	sshrl.u32 s1, $0x2  }
0xb9: {  	s3 =	sand.u32 $0x4000, s31;
	s1 =	sadd.s32 s1, s30  }
0xba: {  	s0 =	sor.u32 s3, s0;
	s1 =	sshll.u32 s1, $0x11  }
0xbb: {  	s0 =	sor.u32 s1, s0  }
0xbc: {  	s0 =	sadd.s32 $0x8F2B, s0  }
0xbd: {  	[sflag:s0] =	ssyncadd.remote.s32 $0x1  }
0xbe: {  	_ =	sfence.sel $0xFFFF  }
0xbf: {  	[dreg:$0x0] =	wrdreg $0xFFFFFFFF;
	(pc) =	sbr.abs _section_cstart, $3  }
0xc0: {  	[dreg:$0x1] =	wrdreg $0xFFFFFFFF  }
0xc1: {  	_ =	task.clear_ibuf [dreg:s7], $0x2FFFF;
	_ =	strace $0x9FFFFFFF  }
0xc2: {  	(tm) =	ssettm $0x7FFFFFFF  }
0xc3: {  	_ =	shalt  }
tec
execute0_lowered:
.L_overlay_start_1:
0x0: {  	(tag) =	ssettag $0x1  }
0x1: {  	s2 =	rddreg [dreg:$0x0]  }
0x2: {  	s0 =	rddreg [dreg:$0x1]  }
0x3: {  	s1 =	srdreg.scid;
	s4 =	stileid.u32  }
0x4: {  	s3 =	simm.s32 $0x0;
	s14 =	simm.s32 $0x2;
	s16 =	simm.s32 $0x900  }
0x5: {  	s17 =	simm.s32 $0x1100;
	s28 =	simm.s32 $0x6100;
	s29 =	simm.s32 $0x6900  }
0x6: {  	s30 =	simm.s32 $0x7100;
	s31 =	simm.s32 $0x7900;
	s12 =	simm.s32 $0x9900  }
0x7: {  	s11 =	simm.s32 $0xA900;
	s1 =	sand.u32 $0x1, s1;
	s4 =	sshll.u32 s4, $0x1  }
0x8: {  	[smem:$0x7FF] =	sst s3;
	s7 =	sadd.s32 $0x1200, s0;
	s4 =	sor.u32 s1, s4  }
0x9: {  	s0 =	sadd.s32 $0x1600, s0;
	s1 =	ssub.s32 $0x2, s1;
	s6 =	smul.u32 $0xC0, s4  }
0xa: {  	_ =	strace $0x8000004A;
	s5 =	sshrl.u32 s1, $0x1;
	s10 =	smul.u32 $0x6000, s4  }
0xb: {  	s4 =	sadd.s32 $0x100, s2;
	s1 =	ssub.s32 s1, s5;
	s18 =	sshrl.u32 s6, $0x3  }
0xc: {  	s8 =	sor.u32 $0x30, s6;
	s20 =	sadd.s32 s0, s10;
	s21 =	sadd.s32 $0x60, s6  }
0xd: {  	s6 =	sadd.s32 $0x90, s6;
	s5 =	sadd.s32 s7, s18;
	s9 =	sshrl.u32 s8, $0x3  }
0xe: {  	[dreg:$0x5] =	wrdreg s20;
	s22 =	sshrl.u32 s21, $0x3;
	s8 =	sshll.u32 s8, $0x7  }
0xf: {  	s23 =	sshrl.u32 s6, $0x3;
	s24 =	sshll.u32 s21, $0x7;
	s26 =	sshll.u32 s6, $0x7  }
0x10: {  	s6 =	sadd.s32 $0x300, s2;
	s18 =	simm.s32 $0x1900;
	s20 =	simm.s32 $0x2900  }
0x11: {  	s21 =	simm.s32 $0x3100;
	[dreg:$0x3] =	wrdreg s5;
	s19 =	sadd.s32 s7, s9  }
0x12: {  	s5 =	sadd.s32 $0x200, s2;
	s9 =	sadd.s32 s7, s22;
	[dreg:$0x4] =	wrdreg s19  }
0x13: {  	s8 =	sadd.s32 s0, s8;
	s7 =	sadd.s32 s7, s23;
	[dreg:$0x6] =	wrdreg s9  }
0x14: {  	s25 =	sadd.s32 s0, s24;
	s0 =	sadd.s32 s0, s26;
	[dreg:$0x7] =	wrdreg s8  }
0x15: {  	s22 =	simm.s32 $0x3900;
	s23 =	simm.s32 $0x4100;
	[dreg:$0x8] =	wrdreg s7  }
0x16: {  	v2 =	vlaneseq.u32;
	s24 =	simm.s32 $0x4900;
	s26 =	simm.s32 $0x5900;
	[dreg:$0x9] =	wrdreg s25  }
0x17: {  	vm0 =	vmmov $0xffff;
	v1 =	vshrl.u32 v2, $0x3;
	[dreg:$0xa] =	wrdreg s0;
	s7 =	smax.u32 s1, $0x1;
	s8 =	simm.s32 $0x3  }
0x18: {  	v0 =	vand.u32 $0x7, v2;
	v2 =	vor.u32 $0x8, v2;
	v1 =	vmul.u32 $0x8, v1;
	s9 =	simm.s32 $0x1;
	s19 =	simm.s32 $0x2100;
	s25 =	simm.s32 $0x5100  }
.LBB2_1:
0x19: {  	s15 =	rddreg [dreg:$0x3]  }
0x1a: {  	[tilespmem:s3], [sflag:$0x3] =	stream.linear.gather [hbm4b:s15+s3], $0x30, $0x38;
	[tilespmem:$0x18100] =	vst v63  }
0x1b: {  	_ =	swait.ge [sflag:s8], $0x30  }
0x1c: {  	[sflag:s8] =	ssyncset.done $0x0  }
0x1d: {  	[sflag:s8] =	ssyncadd.s32 $0xFFFFFFD0  }
0x1e: {  	v3 =	vld [tilespmem:$0x0];
	_ =	sdelay $0x4  }
0x1f: {  	v4 =	vshll.u32 v3, $0x3  }
0x20: {  	v3 =	vand.u32 $0x7, v3;
	v4 =	vand.u32 $0xFFFFFFC0, v4  }
0x21: {  	v3 =	vor.u32 v3, v4  }
0x22: {  	v4 =	vperm.xlane v3, v0;
	_ =	sdelay $0x1  }
0x23: {  	v4 =	vadd.s32 v1, v4;
	_ =	sdelay $0x3  }
0x24: {  	s0 =	simm.s32 $0x100  }
0x25: {  	[tilespmem:s0], [sflag:$0x1] =	stream.indirect_vreg.gather [hbm4b:s2+s3], $0x80, v4, vm0, $0xb8;
	[tilespmem:$0x18100] =	vst v63  }
0x26: {  	v3 =	vperm.xlane v3, v2  }
0x27: {  	[tilespmem:s16], [sflag:$0x1] =	stream.indirect_vreg.gather [hbm4b:s4+s3], $0x80, v4, vm0, $0xb8;
	[tilespmem:$0x18100] =	vst v63  }
0x28: {  	v3 =	vadd.s32 v1, v3  }
0x29: {  	[tilespmem:s17], [sflag:$0x1] =	stream.indirect_vreg.gather [hbm4b:s5+s3], $0x80, v4, vm0, $0xb8;
	[tilespmem:$0x18100] =	vst v63  }
0x2a: {  	_ = 	snop  }
0x2b: {  	[tilespmem:s18], [sflag:$0x1] =	stream.indirect_vreg.gather [hbm4b:s6+s3], $0x80, v4, vm0, $0xb8;
	[tilespmem:$0x18100] =	vst v63  }
0x2c: {  	_ = 	snop  }
0x2d: {  	[tilespmem:s19], [sflag:$0x1] =	stream.indirect_vreg.gather [hbm4b:s2+s3], $0x80, v3, vm0, $0xb8;
	[tilespmem:$0x18100] =	vst v63  }
0x2e: {  	_ = 	snop  }
0x2f: {  	[tilespmem:s20], [sflag:$0x1] =	stream.indirect_vreg.gather [hbm4b:s4+s3], $0x80, v3, vm0, $0xb8;
	[tilespmem:$0x18100] =	vst v63  }
0x30: {  	_ = 	snop  }
0x31: {  	[tilespmem:s21], [sflag:$0x1] =	stream.indirect_vreg.gather [hbm4b:s5+s3], $0x80, v3, vm0, $0xb8;
	[tilespmem:$0x18100] =	vst v63  }
0x32: {  	_ = 	snop  }
0x33: {  	[tilespmem:s22], [sflag:$0x1] =	stream.indirect_vreg.gather [hbm4b:s6+s3], $0x80, v3, vm0, $0xb8;
	[tilespmem:$0x18100] =	vst v63  }
0x34: {  	v3 =	vld [tilespmem:$0x10];
	_ =	sdelay $0x4  }
0x35: {  	v53 =	vshll.u32 v3, $0x3  }
0x36: {  	v3 =	vand.u32 $0x7, v3;
	v4 =	vand.u32 $0xFFFFFFC0, v53  }
0x37: {  	v3 =	vor.u32 v3, v4  }
0x38: {  	v4 =	vperm.xlane v3, v0;
	_ =	sdelay $0x1  }
0x39: {  	v4 =	vadd.s32 v1, v4;
	_ =	sdelay $0x4  }
0x3a: {  	[tilespmem:s23], [sflag:$0x1] =	stream.indirect_vreg.gather [hbm4b:s2+s3], $0x80, v4, vm0, $0xb8;
	[tilespmem:$0x18100] =	vst v63  }
0x3b: {  	v3 =	vperm.xlane v3, v2  }
0x3c: {  	[tilespmem:s24], [sflag:$0x1] =	stream.indirect_vreg.gather [hbm4b:s4+s3], $0x80, v4, vm0, $0xb8;
	[tilespmem:$0x18100] =	vst v63  }
0x3d: {  	v3 =	vadd.s32 v1, v3  }
0x3e: {  	[tilespmem:s25], [sflag:$0x1] =	stream.indirect_vreg.gather [hbm4b:s5+s3], $0x80, v4, vm0, $0xb8;
	[tilespmem:$0x18100] =	vst v63  }
0x3f: {  	_ = 	snop  }
0x40: {  	[tilespmem:s26], [sflag:$0x1] =	stream.indirect_vreg.gather [hbm4b:s6+s3], $0x80, v4, vm0, $0xb8;
	[tilespmem:$0x18100] =	vst v63  }
0x41: {  	_ = 	snop  }
0x42: {  	[tilespmem:s28], [sflag:$0x1] =	stream.indirect_vreg.gather [hbm4b:s2+s3], $0x80, v3, vm0, $0xb8;
	[tilespmem:$0x18100] =	vst v63  }
0x43: {  	_ = 	snop  }
0x44: {  	[tilespmem:s29], [sflag:$0x1] =	stream.indirect_vreg.gather [hbm4b:s4+s3], $0x80, v3, vm0, $0xb8;
	[tilespmem:$0x18100] =	vst v63  }
0x45: {  	_ = 	snop  }
0x46: {  	[tilespmem:s30], [sflag:$0x1] =	stream.indirect_vreg.gather [hbm4b:s5+s3], $0x80, v3, vm0, $0xb8;
	[tilespmem:$0x18100] =	vst v63  }
0x47: {  	_ = 	snop  }
0x48: {  	[tilespmem:s31], [sflag:$0x1] =	stream.indirect_vreg.gather [hbm4b:s6+s3], $0x80, v3, vm0, $0xb8;
	[tilespmem:$0x18100] =	vst v63  }
0x49: {  	v3 =	vld [tilespmem:$0x20];
	_ =	sdelay $0x4  }
0x4a: {  	v54 =	vshll.u32 v3, $0x3  }
0x4b: {  	v3 =	vand.u32 $0x7, v3;
	v4 =	vand.u32 $0xFFFFFFC0, v54  }
0x4c: {  	v3 =	vor.u32 v3, v4  }
0x4d: {  	v4 =	vperm.xlane v3, v0;
	_ =	sdelay $0x1  }
0x4e: {  	v4 =	vadd.s32 v1, v4;
	_ =	sdelay $0x3  }
0x4f: {  	s1 =	simm.s32 $0x8100  }
0x50: {  	[tilespmem:s1], [sflag:$0x1] =	stream.indirect_vreg.gather [hbm4b:s2+s3], $0x80, v4, vm0, $0xb8;
	[tilespmem:$0x18100] =	vst v63  }
0x51: {  	s10 =	simm.s32 $0x8900;
	v3 =	vperm.xlane v3, v2  }
0x52: {  	[tilespmem:s10], [sflag:$0x1] =	stream.indirect_vreg.gather [hbm4b:s4+s3], $0x80, v4, vm0, $0xb8;
	[tilespmem:$0x18100] =	vst v63  }
0x53: {  	v3 =	vadd.s32 v1, v3;
	s10 =	simm.s32 $0x9100  }
0x54: {  	[tilespmem:s10], [sflag:$0x1] =	stream.indirect_vreg.gather [hbm4b:s5+s3], $0x80, v4, vm0, $0xb8;
	[tilespmem:$0x18100] =	vst v63  }
0x55: {  	_ = 	snop  }
0x56: {  	[tilespmem:s12], [sflag:$0x1] =	stream.indirect_vreg.gather [hbm4b:s6+s3], $0x80, v4, vm0, $0xb8;
	[tilespmem:$0x18100] =	vst v63  }
0x57: {  	s13 =	simm.s32 $0xA100  }
0x58: {  	[tilespmem:s13], [sflag:$0x1] =	stream.indirect_vreg.gather [hbm4b:s2+s3], $0x80, v3, vm0, $0xb8;
	[tilespmem:$0x18100] =	vst v63  }
0x59: {  	_ = 	snop  }
0x5a: {  	[tilespmem:s11], [sflag:$0x1] =	stream.indirect_vreg.gather [hbm4b:s4+s3], $0x80, v3, vm0, $0xb8;
	[tilespmem:$0x18100] =	vst v63  }
0x5b: {  	s15 =	simm.s32 $0xB100  }
0x5c: {  	[tilespmem:s15], [sflag:$0x1] =	stream.indirect_vreg.gather [hbm4b:s5+s3], $0x80, v3, vm0, $0xb8;
	[tilespmem:$0x18100] =	vst v63  }
0x5d: {  	s1 =	simm.s32 $0xB900  }
0x5e: {  	[tilespmem:s1], [sflag:$0x1] =	stream.indirect_vreg.gather [hbm4b:s6+s3], $0x80, v3, vm0, $0xb8;
	[tilespmem:$0x18100] =	vst v63  }
0x5f: {  	s0 =	rddreg [dreg:$0x4];
	s13 =	simm.s32 $0x80  }
0x60: {  	[tilespmem:s13], [sflag:$0x3] =	stream.linear.gather [hbm4b:s0+s3], $0x30, $0x38;
	[tilespmem:$0x18100] =	vst v63  }
0x61: {  	_ =	swait.ge [sflag:s8], $0x30  }
0x62: {  	[sflag:s8] =	ssyncset.done $0x0  }
0x63: {  	[sflag:s8] =	ssyncadd.s32 $0xFFFFFFD0  }
0x64: {  	v3 =	vld [tilespmem:$0x80];
	_ =	sdelay $0x4  }
0x65: {  	v55 =	vshll.u32 v3, $0x3  }
0x66: {  	v3 =	vand.u32 $0x7, v3;
	v4 =	vand.u32 $0xFFFFFFC0, v55  }
0x67: {  	v3 =	vor.u32 v3, v4  }
0x68: {  	v4 =	vperm.xlane v3, v0;
	_ =	sdelay $0x1  }
0x69: {  	v4 =	vadd.s32 v1, v4;
	_ =	sdelay $0x3  }
0x6a: {  	s0 =	simm.s32 $0xC100  }
0x6b: {  	[tilespmem:s0], [sflag:$0x2] =	stream.indirect_vreg.gather [hbm4b:s2+s3], $0x80, v4, vm0, $0xb8;
	[tilespmem:$0x18100] =	vst v63  }
0x6c: {  	s13 =	simm.s32 $0xC900;
	v3 =	vperm.xlane v3, v2  }
0x6d: {  	[tilespmem:s13], [sflag:$0x2] =	stream.indirect_vreg.gather [hbm4b:s4+s3], $0x80, v4, vm0, $0xb8;
	[tilespmem:$0x18100] =	vst v63  }
0x6e: {  	s15 =	simm.s32 $0xD100;
	v3 =	vadd.s32 v1, v3  }
0x6f: {  	[tilespmem:s15], [sflag:$0x2] =	stream.indirect_vreg.gather [hbm4b:s5+s3], $0x80, v4, vm0, $0xb8;
	[tilespmem:$0x18100] =	vst v63  }
0x70: {  	s15 =	simm.s32 $0xD900  }
0x71: {  	[tilespmem:s15], [sflag:$0x2] =	stream.indirect_vreg.gather [hbm4b:s6+s3], $0x80, v4, vm0, $0xb8;
	[tilespmem:$0x18100] =	vst v63  }
0x72: {  	s15 =	simm.s32 $0xE100  }
0x73: {  	[tilespmem:s15], [sflag:$0x2] =	stream.indirect_vreg.gather [hbm4b:s2+s3], $0x80, v3, vm0, $0xb8;
	[tilespmem:$0x18100] =	vst v63  }
0x74: {  	s15 =	simm.s32 $0xE900  }
0x75: {  	[tilespmem:s15], [sflag:$0x2] =	stream.indirect_vreg.gather [hbm4b:s4+s3], $0x80, v3, vm0, $0xb8;
	[tilespmem:$0x18100] =	vst v63  }
0x76: {  	s15 =	simm.s32 $0xF100  }
0x77: {  	[tilespmem:s15], [sflag:$0x2] =	stream.indirect_vreg.gather [hbm4b:s5+s3], $0x80, v3, vm0, $0xb8;
	[tilespmem:$0x18100] =	vst v63  }
0x78: {  	s15 =	simm.s32 $0xF900  }
0x79: {  	[tilespmem:s15], [sflag:$0x2] =	stream.indirect_vreg.gather [hbm4b:s6+s3], $0x80, v3, vm0, $0xb8;
	[tilespmem:$0x18100] =	vst v63  }
0x7a: {  	v3 =	vld [tilespmem:$0x90];
	_ =	sdelay $0x4  }
0x7b: {  	v56 =	vshll.u32 v3, $0x3  }
0x7c: {  	v3 =	vand.u32 $0x7, v3;
	v4 =	vand.u32 $0xFFFFFFC0, v56  }
0x7d: {  	v3 =	vor.u32 v3, v4  }
0x7e: {  	v4 =	vperm.xlane v3, v0;
	_ =	sdelay $0x1  }
0x7f: {  	v4 =	vadd.s32 v1, v4;
	_ =	sdelay $0x3  }
0x80: {  	s15 =	simm.s32 $0x10100  }
0x81: {  	[tilespmem:s15], [sflag:$0x2] =	stream.indirect_vreg.gather [hbm4b:s2+s3], $0x80, v4, vm0, $0xb8;
	[tilespmem:$0x18100] =	vst v63  }
0x82: {  	v3 =	vperm.xlane v3, v2;
	s15 =	simm.s32 $0x10900  }
0x83: {  	[tilespmem:s15], [sflag:$0x2] =	stream.indirect_vreg.gather [hbm4b:s4+s3], $0x80, v4, vm0, $0xb8;
	[tilespmem:$0x18100] =	vst v63  }
0x84: {  	v3 =	vadd.s32 v1, v3;
	s15 =	simm.s32 $0x11100  }
0x85: {  	[tilespmem:s15], [sflag:$0x2] =	stream.indirect_vreg.gather [hbm4b:s5+s3], $0x80, v4, vm0, $0xb8;
	[tilespmem:$0x18100] =	vst v63  }
0x86: {  	s15 =	simm.s32 $0x11900  }
0x87: {  	[tilespmem:s15], [sflag:$0x2] =	stream.indirect_vreg.gather [hbm4b:s6+s3], $0x80, v4, vm0, $0xb8;
	[tilespmem:$0x18100] =	vst v63  }
0x88: {  	s15 =	simm.s32 $0x12100  }
0x89: {  	[tilespmem:s15], [sflag:$0x2] =	stream.indirect_vreg.gather [hbm4b:s2+s3], $0x80, v3, vm0, $0xb8;
	[tilespmem:$0x18100] =	vst v63  }
0x8a: {  	s15 =	simm.s32 $0x12900  }
0x8b: {  	[tilespmem:s15], [sflag:$0x2] =	stream.indirect_vreg.gather [hbm4b:s4+s3], $0x80, v3, vm0, $0xb8;
	[tilespmem:$0x18100] =	vst v63  }
0x8c: {  	s15 =	simm.s32 $0x13100  }
0x8d: {  	[tilespmem:s15], [sflag:$0x2] =	stream.indirect_vreg.gather [hbm4b:s5+s3], $0x80, v3, vm0, $0xb8;
	[tilespmem:$0x18100] =	vst v63  }
0x8e: {  	s15 =	simm.s32 $0x13900  }
0x8f: {  	[tilespmem:s15], [sflag:$0x2] =	stream.indirect_vreg.gather [hbm4b:s6+s3], $0x80, v3, vm0, $0xb8;
	[tilespmem:$0x18100] =	vst v63  }
0x90: {  	v3 =	vld [tilespmem:$0xA0];
	_ =	sdelay $0x4  }
0x91: {  	v57 =	vshll.u32 v3, $0x3  }
0x92: {  	v3 =	vand.u32 $0x7, v3;
	v4 =	vand.u32 $0xFFFFFFC0, v57  }
0x93: {  	v3 =	vor.u32 v3, v4  }
0x94: {  	v4 =	vperm.xlane v3, v0;
	_ =	sdelay $0x1  }
0x95: {  	v4 =	vadd.s32 v1, v4;
	_ =	sdelay $0x3  }
0x96: {  	s15 =	simm.s32 $0x14100  }
0x97: {  	[tilespmem:s15], [sflag:$0x2] =	stream.indirect_vreg.gather [hbm4b:s2+s3], $0x80, v4, vm0, $0xb8;
	[tilespmem:$0x18100] =	vst v63  }
0x98: {  	v3 =	vperm.xlane v3, v2;
	s15 =	simm.s32 $0x14900  }
0x99: {  	[tilespmem:s15], [sflag:$0x2] =	stream.indirect_vreg.gather [hbm4b:s4+s3], $0x80, v4, vm0, $0xb8;
	[tilespmem:$0x18100] =	vst v63  }
0x9a: {  	v3 =	vadd.s32 v1, v3;
	s15 =	simm.s32 $0x15100  }
0x9b: {  	[tilespmem:s15], [sflag:$0x2] =	stream.indirect_vreg.gather [hbm4b:s5+s3], $0x80, v4, vm0, $0xb8;
	[tilespmem:$0x18100] =	vst v63  }
0x9c: {  	s15 =	simm.s32 $0x15900  }
0x9d: {  	[tilespmem:s15], [sflag:$0x2] =	stream.indirect_vreg.gather [hbm4b:s6+s3], $0x80, v4, vm0, $0xb8;
	[tilespmem:$0x18100] =	vst v63  }
0x9e: {  	s15 =	simm.s32 $0x16100  }
0x9f: {  	[tilespmem:s15], [sflag:$0x2] =	stream.indirect_vreg.gather [hbm4b:s2+s3], $0x80, v3, vm0, $0xb8;
	[tilespmem:$0x18100] =	vst v63  }
0xa0: {  	s15 =	simm.s32 $0x16900  }
0xa1: {  	[tilespmem:s15], [sflag:$0x2] =	stream.indirect_vreg.gather [hbm4b:s4+s3], $0x80, v3, vm0, $0xb8;
	[tilespmem:$0x18100] =	vst v63  }
0xa2: {  	s15 =	simm.s32 $0x17100  }
0xa3: {  	[tilespmem:s15], [sflag:$0x2] =	stream.indirect_vreg.gather [hbm4b:s5+s3], $0x80, v3, vm0, $0xb8;
	[tilespmem:$0x18100] =	vst v63  }
0xa4: {  	s15 =	simm.s32 $0x17900  }
0xa5: {  	[tilespmem:s15], [sflag:$0x2] =	stream.indirect_vreg.gather [hbm4b:s6+s3], $0x80, v3, vm0, $0xb8;
	[tilespmem:$0x18100] =	vst v63  }
0xa6: {  	_ =	swait.ge [sflag:s9], $0xC000  }
0xa7: {  	[sflag:s9] =	ssyncset.done $0x0  }
0xa8: {  	s13 =	simm.s32 $0x100;
	s15 =	rddreg [dreg:$0x5];
	[sflag:s9] =	ssyncadd.s32 $0xFFFF4000  }
0xa9: {  	[hbm4b:s15+s3] =	stream.linear.scatter [tilespmem:s13], [sflag:$0x3], $0xC000, $0x38;
	[tilespmem:$0x18100] =	vst v63  }
0xaa: {  	_ =	swait.ge [sflag:s8], $0xC000  }
0xab: {  	[sflag:s8] =	ssyncset.done $0x0  }
0xac: {  	s15 =	rddreg [dreg:$0x6];
	[sflag:s8] =	ssyncadd.s32 $0xFFFF4000  }
0xad: {  	[tilespmem:s3], [sflag:$0x3] =	stream.linear.gather [hbm4b:s15+s3], $0x30, $0x38;
	[tilespmem:$0x18100] =	vst v63  }
0xae: {  	_ =	swait.ge [sflag:s8], $0x30  }
0xaf: {  	[sflag:s8] =	ssyncset.done $0x0  }
0xb0: {  	[sflag:s8] =	ssyncadd.s32 $0xFFFFFFD0  }
0xb1: {  	v3 =	vld [tilespmem:$0x0];
	_ =	sdelay $0x4  }
0xb2: {  	v58 =	vshll.u32 v3, $0x3  }
0xb3: {  	v3 =	vand.u32 $0x7, v3;
	v4 =	vand.u32 $0xFFFFFFC0, v58  }
0xb4: {  	v3 =	vor.u32 v3, v4  }
0xb5: {  	v4 =	vperm.xlane v3, v0;
	_ =	sdelay $0x1  }
0xb6: {  	v4 =	vadd.s32 v1, v4;
	_ =	sdelay $0x4  }
0xb7: {  	[tilespmem:s13], [sflag:$0x1] =	stream.indirect_vreg.gather [hbm4b:s2+s3], $0x80, v4, vm0, $0xb8;
	[tilespmem:$0x18100] =	vst v63  }
0xb8: {  	v3 =	vperm.xlane v3, v2  }
0xb9: {  	[tilespmem:s16], [sflag:$0x1] =	stream.indirect_vreg.gather [hbm4b:s4+s3], $0x80, v4, vm0, $0xb8;
	[tilespmem:$0x18100] =	vst v63  }
0xba: {  	v3 =	vadd.s32 v1, v3  }
0xbb: {  	[tilespmem:s17], [sflag:$0x1] =	stream.indirect_vreg.gather [hbm4b:s5+s3], $0x80, v4, vm0, $0xb8;
	[tilespmem:$0x18100] =	vst v63  }
0xbc: {  	_ = 	snop  }
0xbd: {  	[tilespmem:s18], [sflag:$0x1] =	stream.indirect_vreg.gather [hbm4b:s6+s3], $0x80, v4, vm0, $0xb8;
	[tilespmem:$0x18100] =	vst v63  }
0xbe: {  	_ = 	snop  }
0xbf: {  	[tilespmem:s19], [sflag:$0x1] =	stream.indirect_vreg.gather [hbm4b:s2+s3], $0x80, v3, vm0, $0xb8;
	[tilespmem:$0x18100] =	vst v63  }
0xc0: {  	_ = 	snop  }
0xc1: {  	[tilespmem:s20], [sflag:$0x1] =	stream.indirect_vreg.gather [hbm4b:s4+s3], $0x80, v3, vm0, $0xb8;
	[tilespmem:$0x18100] =	vst v63  }
0xc2: {  	_ = 	snop  }
0xc3: {  	[tilespmem:s21], [sflag:$0x1] =	stream.indirect_vreg.gather [hbm4b:s5+s3], $0x80, v3, vm0, $0xb8;
	[tilespmem:$0x18100] =	vst v63  }
0xc4: {  	_ = 	snop  }
0xc5: {  	[tilespmem:s22], [sflag:$0x1] =	stream.indirect_vreg.gather [hbm4b:s6+s3], $0x80, v3, vm0, $0xb8;
	[tilespmem:$0x18100] =	vst v63  }
0xc6: {  	v3 =	vld [tilespmem:$0x10];
	_ =	sdelay $0x4  }
0xc7: {  	v59 =	vshll.u32 v3, $0x3  }
0xc8: {  	v3 =	vand.u32 $0x7, v3;
	v4 =	vand.u32 $0xFFFFFFC0, v59  }
0xc9: {  	v3 =	vor.u32 v3, v4  }
0xca: {  	v4 =	vperm.xlane v3, v0;
	_ =	sdelay $0x1  }
0xcb: {  	v4 =	vadd.s32 v1, v4;
	_ =	sdelay $0x4  }
0xcc: {  	[tilespmem:s23], [sflag:$0x1] =	stream.indirect_vreg.gather [hbm4b:s2+s3], $0x80, v4, vm0, $0xb8;
	[tilespmem:$0x18100] =	vst v63  }
0xcd: {  	v3 =	vperm.xlane v3, v2  }
0xce: {  	[tilespmem:s24], [sflag:$0x1] =	stream.indirect_vreg.gather [hbm4b:s4+s3], $0x80, v4, vm0, $0xb8;
	[tilespmem:$0x18100] =	vst v63  }
0xcf: {  	v3 =	vadd.s32 v1, v3  }
0xd0: {  	[tilespmem:s25], [sflag:$0x1] =	stream.indirect_vreg.gather [hbm4b:s5+s3], $0x80, v4, vm0, $0xb8;
	[tilespmem:$0x18100] =	vst v63  }
0xd1: {  	_ = 	snop  }
0xd2: {  	[tilespmem:s26], [sflag:$0x1] =	stream.indirect_vreg.gather [hbm4b:s6+s3], $0x80, v4, vm0, $0xb8;
	[tilespmem:$0x18100] =	vst v63  }
0xd3: {  	_ = 	snop  }
0xd4: {  	[tilespmem:s28], [sflag:$0x1] =	stream.indirect_vreg.gather [hbm4b:s2+s3], $0x80, v3, vm0, $0xb8;
	[tilespmem:$0x18100] =	vst v63  }
0xd5: {  	_ = 	snop  }
0xd6: {  	[tilespmem:s29], [sflag:$0x1] =	stream.indirect_vreg.gather [hbm4b:s4+s3], $0x80, v3, vm0, $0xb8;
	[tilespmem:$0x18100] =	vst v63  }
0xd7: {  	_ = 	snop  }
0xd8: {  	[tilespmem:s30], [sflag:$0x1] =	stream.indirect_vreg.gather [hbm4b:s5+s3], $0x80, v3, vm0, $0xb8;
	[tilespmem:$0x18100] =	vst v63  }
0xd9: {  	_ = 	snop  }
0xda: {  	[tilespmem:s31], [sflag:$0x1] =	stream.indirect_vreg.gather [hbm4b:s6+s3], $0x80, v3, vm0, $0xb8;
	[tilespmem:$0x18100] =	vst v63  }
0xdb: {  	v3 =	vld [tilespmem:$0x20];
	_ =	sdelay $0x4  }
0xdc: {  	v60 =	vshll.u32 v3, $0x3  }
0xdd: {  	v3 =	vand.u32 $0x7, v3;
	v4 =	vand.u32 $0xFFFFFFC0, v60  }
0xde: {  	v3 =	vor.u32 v3, v4  }
0xdf: {  	v4 =	vperm.xlane v3, v0;
	_ =	sdelay $0x1  }
0xe0: {  	v4 =	vadd.s32 v1, v4;
	_ =	sdelay $0x3  }
0xe1: {  	s15 =	simm.s32 $0x8100  }
0xe2: {  	[tilespmem:s15], [sflag:$0x1] =	stream.indirect_vreg.gather [hbm4b:s2+s3], $0x80, v4, vm0, $0xb8;
	[tilespmem:$0x18100] =	vst v63  }
0xe3: {  	v3 =	vperm.xlane v3, v2;
	s15 =	simm.s32 $0x8900  }
0xe4: {  	[tilespmem:s15], [sflag:$0x1] =	stream.indirect_vreg.gather [hbm4b:s4+s3], $0x80, v4, vm0, $0xb8;
	[tilespmem:$0x18100] =	vst v63  }
0xe5: {  	v3 =	vadd.s32 v1, v3  }
0xe6: {  	[tilespmem:s10], [sflag:$0x1] =	stream.indirect_vreg.gather [hbm4b:s5+s3], $0x80, v4, vm0, $0xb8;
	[tilespmem:$0x18100] =	vst v63  }
0xe7: {  	_ = 	snop  }
0xe8: {  	[tilespmem:s12], [sflag:$0x1] =	stream.indirect_vreg.gather [hbm4b:s6+s3], $0x80, v4, vm0, $0xb8;
	[tilespmem:$0x18100] =	vst v63  }
0xe9: {  	s13 =	simm.s32 $0xA100  }
0xea: {  	[tilespmem:s13], [sflag:$0x1] =	stream.indirect_vreg.gather [hbm4b:s2+s3], $0x80, v3, vm0, $0xb8;
	[tilespmem:$0x18100] =	vst v63  }
0xeb: {  	_ = 	snop  }
0xec: {  	[tilespmem:s11], [sflag:$0x1] =	stream.indirect_vreg.gather [hbm4b:s4+s3], $0x80, v3, vm0, $0xb8;
	[tilespmem:$0x18100] =	vst v63  }
0xed: {  	s15 =	simm.s32 $0xB100  }
0xee: {  	[tilespmem:s15], [sflag:$0x1] =	stream.indirect_vreg.gather [hbm4b:s5+s3], $0x80, v3, vm0, $0xb8;
	[tilespmem:$0x18100] =	vst v63  }
0xef: {  	_ = 	snop  }
0xf0: {  	[tilespmem:s1], [sflag:$0x1] =	stream.indirect_vreg.gather [hbm4b:s6+s3], $0x80, v3, vm0, $0xb8;
	[tilespmem:$0x18100] =	vst v63  }
0xf1: {  	_ =	swait.ge [sflag:s14], $0xC000  }
0xf2: {  	[sflag:s14] =	ssyncset.done $0x0  }
0xf3: {  	s13 =	rddreg [dreg:$0x7];
	[sflag:s14] =	ssyncadd.s32 $0xFFFF4000  }
0xf4: {  	[hbm4b:s13+s3] =	stream.linear.scatter [tilespmem:s0], [sflag:$0x3], $0xC000, $0x38;
	[tilespmem:$0x18100] =	vst v63  }
0xf5: {  	_ =	swait.ge [sflag:s8], $0xC000  }
0xf6: {  	[sflag:s8] =	ssyncset.done $0x0  }
0xf7: {  	s10 =	simm.s32 $0x80;
	s1 =	rddreg [dreg:$0x8];
	[sflag:s8] =	ssyncadd.s32 $0xFFFF4000  }
0xf8: {  	[tilespmem:s10], [sflag:$0x3] =	stream.linear.gather [hbm4b:s1+s3], $0x30, $0x38;
	[tilespmem:$0x18100] =	vst v63  }
0xf9: {  	_ =	swait.ge [sflag:s8], $0x30  }
0xfa: {  	[sflag:s8] =	ssyncset.done $0x0  }
0xfb: {  	[sflag:s8] =	ssyncadd.s32 $0xFFFFFFD0  }
0xfc: {  	v3 =	vld [tilespmem:$0x80];
	_ =	sdelay $0x4  }
0xfd: {  	v61 =	vshll.u32 v3, $0x3  }
0xfe: {  	v3 =	vand.u32 $0x7, v3;
	v4 =	vand.u32 $0xFFFFFFC0, v61  }
0xff: {  	v3 =	vor.u32 v3, v4  }
0x100: {  	v4 =	vperm.xlane v3, v0;
	_ =	sdelay $0x1  }
0x101: {  	v4 =	vadd.s32 v1, v4;
	_ =	sdelay $0x4  }
0x102: {  	[tilespmem:s0], [sflag:$0x2] =	stream.indirect_vreg.gather [hbm4b:s2+s3], $0x80, v4, vm0, $0xb8;
	[tilespmem:$0x18100] =	vst v63  }
0x103: {  	s13 =	simm.s32 $0xC900;
	v3 =	vperm.xlane v3, v2  }
0x104: {  	[tilespmem:s13], [sflag:$0x2] =	stream.indirect_vreg.gather [hbm4b:s4+s3], $0x80, v4, vm0, $0xb8;
	[tilespmem:$0x18100] =	vst v63  }
0x105: {  	s15 =	simm.s32 $0xD100;
	v3 =	vadd.s32 v1, v3  }
0x106: {  	[tilespmem:s15], [sflag:$0x2] =	stream.indirect_vreg.gather [hbm4b:s5+s3], $0x80, v4, vm0, $0xb8;
	[tilespmem:$0x18100] =	vst v63  }
0x107: {  	s10 =	simm.s32 $0xD900  }
0x108: {  	[tilespmem:s10], [sflag:$0x2] =	stream.indirect_vreg.gather [hbm4b:s6+s3], $0x80, v4, vm0, $0xb8;
	[tilespmem:$0x18100] =	vst v63  }
0x109: {  	s13 =	simm.s32 $0xE100  }
0x10a: {  	[tilespmem:s13], [sflag:$0x2] =	stream.indirect_vreg.gather [hbm4b:s2+s3], $0x80, v3, vm0, $0xb8;
	[tilespmem:$0x18100] =	vst v63  }
0x10b: {  	s15 =	simm.s32 $0xE900  }
0x10c: {  	[tilespmem:s15], [sflag:$0x2] =	stream.indirect_vreg.gather [hbm4b:s4+s3], $0x80, v3, vm0, $0xb8;
	[tilespmem:$0x18100] =	vst v63  }
0x10d: {  	s10 =	simm.s32 $0xF100  }
0x10e: {  	[tilespmem:s10], [sflag:$0x2] =	stream.indirect_vreg.gather [hbm4b:s5+s3], $0x80, v3, vm0, $0xb8;
	[tilespmem:$0x18100] =	vst v63  }
0x10f: {  	s13 =	simm.s32 $0xF900  }
0x110: {  	[tilespmem:s13], [sflag:$0x2] =	stream.indirect_vreg.gather [hbm4b:s6+s3], $0x80, v3, vm0, $0xb8;
	[tilespmem:$0x18100] =	vst v63  }
0x111: {  	v3 =	vld [tilespmem:$0x90];
	_ =	sdelay $0x4  }
0x112: {  	v62 =	vshll.u32 v3, $0x3  }
0x113: {  	v3 =	vand.u32 $0x7, v3;
	v4 =	vand.u32 $0xFFFFFFC0, v62  }
0x114: {  	v3 =	vor.u32 v3, v4  }
0x115: {  	v4 =	vperm.xlane v3, v0;
	_ =	sdelay $0x1  }
0x116: {  	v4 =	vadd.s32 v1, v4;
	_ =	sdelay $0x3  }
0x117: {  	s15 =	simm.s32 $0x10100  }
0x118: {  	[tilespmem:s15], [sflag:$0x2] =	stream.indirect_vreg.gather [hbm4b:s2+s3], $0x80, v4, vm0, $0xb8;
	[tilespmem:$0x18100] =	vst v63  }
0x119: {  	s10 =	simm.s32 $0x10900;
	v3 =	vperm.xlane v3, v2  }
0x11a: {  	[tilespmem:s10], [sflag:$0x2] =	stream.indirect_vreg.gather [hbm4b:s4+s3], $0x80, v4, vm0, $0xb8;
	[tilespmem:$0x18100] =	vst v63  }
0x11b: {  	s13 =	simm.s32 $0x11100;
	v3 =	vadd.s32 v1, v3  }
0x11c: {  	[tilespmem:s13], [sflag:$0x2] =	stream.indirect_vreg.gather [hbm4b:s5+s3], $0x80, v4, vm0, $0xb8;
	[tilespmem:$0x18100] =	vst v63  }
0x11d: {  	s15 =	simm.s32 $0x11900  }
0x11e: {  	[tilespmem:s15], [sflag:$0x2] =	stream.indirect_vreg.gather [hbm4b:s6+s3], $0x80, v4, vm0, $0xb8;
	[tilespmem:$0x18100] =	vst v63  }
0x11f: {  	s10 =	simm.s32 $0x12100  }
0x120: {  	[tilespmem:s10], [sflag:$0x2] =	stream.indirect_vreg.gather [hbm4b:s2+s3], $0x80, v3, vm0, $0xb8;
	[tilespmem:$0x18100] =	vst v63  }
0x121: {  	s13 =	simm.s32 $0x12900  }
0x122: {  	[tilespmem:s13], [sflag:$0x2] =	stream.indirect_vreg.gather [hbm4b:s4+s3], $0x80, v3, vm0, $0xb8;
	[tilespmem:$0x18100] =	vst v63  }
0x123: {  	s15 =	simm.s32 $0x13100  }
0x124: {  	[tilespmem:s15], [sflag:$0x2] =	stream.indirect_vreg.gather [hbm4b:s5+s3], $0x80, v3, vm0, $0xb8;
	[tilespmem:$0x18100] =	vst v63  }
0x125: {  	s10 =	simm.s32 $0x13900  }
0x126: {  	[tilespmem:s10], [sflag:$0x2] =	stream.indirect_vreg.gather [hbm4b:s6+s3], $0x80, v3, vm0, $0xb8;
	[tilespmem:$0x18100] =	vst v63  }
0x127: {  	v3 =	vld [tilespmem:$0xA0];
	_ =	sdelay $0x4  }
0x128: {  	v63 =	vshll.u32 v3, $0x3  }
0x129: {  	v3 =	vand.u32 $0x7, v3;
	v4 =	vand.u32 $0xFFFFFFC0, v63  }
0x12a: {  	v3 =	vor.u32 v3, v4  }
0x12b: {  	v4 =	vperm.xlane v3, v0;
	_ =	sdelay $0x1  }
0x12c: {  	v4 =	vadd.s32 v1, v4;
	_ =	sdelay $0x3  }
0x12d: {  	s13 =	simm.s32 $0x14100  }
0x12e: {  	[tilespmem:s13], [sflag:$0x2] =	stream.indirect_vreg.gather [hbm4b:s2+s3], $0x80, v4, vm0, $0xb8;
	[tilespmem:$0x18100] =	vst v63  }
0x12f: {  	s15 =	simm.s32 $0x14900;
	v3 =	vperm.xlane v3, v2  }
0x130: {  	[tilespmem:s15], [sflag:$0x2] =	stream.indirect_vreg.gather [hbm4b:s4+s3], $0x80, v4, vm0, $0xb8;
	[tilespmem:$0x18100] =	vst v63  }
0x131: {  	s10 =	simm.s32 $0x15100;
	v3 =	vadd.s32 v1, v3  }
0x132: {  	[tilespmem:s10], [sflag:$0x2] =	stream.indirect_vreg.gather [hbm4b:s5+s3], $0x80, v4, vm0, $0xb8;
	[tilespmem:$0x18100] =	vst v63  }
0x133: {  	s13 =	simm.s32 $0x15900  }
0x134: {  	[tilespmem:s13], [sflag:$0x2] =	stream.indirect_vreg.gather [hbm4b:s6+s3], $0x80, v4, vm0, $0xb8;
	[tilespmem:$0x18100] =	vst v63  }
0x135: {  	s15 =	simm.s32 $0x16100  }
0x136: {  	[tilespmem:s15], [sflag:$0x2] =	stream.indirect_vreg.gather [hbm4b:s2+s3], $0x80, v3, vm0, $0xb8;
	[tilespmem:$0x18100] =	vst v63  }
0x137: {  	s10 =	simm.s32 $0x16900  }
0x138: {  	[tilespmem:s10], [sflag:$0x2] =	stream.indirect_vreg.gather [hbm4b:s4+s3], $0x80, v3, vm0, $0xb8;
	[tilespmem:$0x18100] =	vst v63  }
0x139: {  	s13 =	simm.s32 $0x17100  }
0x13a: {  	[tilespmem:s13], [sflag:$0x2] =	stream.indirect_vreg.gather [hbm4b:s5+s3], $0x80, v3, vm0, $0xb8;
	[tilespmem:$0x18100] =	vst v63  }
0x13b: {  	s15 =	simm.s32 $0x17900  }
0x13c: {  	[tilespmem:s15], [sflag:$0x2] =	stream.indirect_vreg.gather [hbm4b:s6+s3], $0x80, v3, vm0, $0xb8;
	[tilespmem:$0x18100] =	vst v63  }
0x13d: {  	_ =	swait.ge [sflag:s9], $0xC000  }
0x13e: {  	[sflag:s9] =	ssyncset.done $0x0  }
0x13f: {  	s10 =	simm.s32 $0x100;
	s1 =	rddreg [dreg:$0x9];
	[sflag:s9] =	ssyncadd.s32 $0xFFFF4000  }
0x140: {  	[hbm4b:s1+s3] =	stream.linear.scatter [tilespmem:s10], [sflag:$0x3], $0xC000, $0x38;
	[tilespmem:$0x18100] =	vst v63  }
0x141: {  	_ =	swait.ge [sflag:s8], $0xC000  }
0x142: {  	[sflag:s8] =	ssyncset.done $0x0  }
0x143: {  	[sflag:s8] =	ssyncadd.s32 $0xFFFF4000  }
0x144: {  	_ =	swait.ge [sflag:s14], $0xC000  }
0x145: {  	p0 =	sne.s32 s7, $0x1;
	[sflag:s14] =	ssyncset.done $0x0  }
.Ltmp0:
0x146: {  	s13 =	rddreg [dreg:$0xa];
	[sflag:s14] =	ssyncadd.s32 $0xFFFF4000;
	(pc) =	sbr.rel @p0 .LBB2_1-.Ltmp0, $4  }
0x147: {  	[hbm4b:s13+s3] =	stream.linear.scatter [tilespmem:s0], [sflag:$0x3], $0xC000, $0x38;
	[tilespmem:$0x18100] =	vst v63  }
0x148: {  	_ =	swait.ge [sflag:s8], $0xC000  }
0x149: {  	[sflag:s8] =	ssyncset.done $0x0  }
0x14a: {  	s7 =	sadd.s32 $0xFFFFFFFF, s7;
	[sflag:s8] =	ssyncadd.s32 $0xFFFF4000  }
0x14b: {  	_ =	sfence.sel $0x180000  }
0x14c: {  	[bflag:$0x0] =	sbarrier.arrive $0xFFFF  }
0x14d: {  	_ =	strace $0x9000004A  }
0x14e: {  	s0 =	stileid.u32;
	[bflag:$0x2] =	sbarrier.arrive $0xFFFF  }
0x14f: {  	p0 =	sne.s32 s0, $0x0;
	s0 =	rddreg [dreg:$0x2]  }
0x150: {  	s0 =	sadd.s32 @!p0 $0x100000, s0  }
0x151: {  	[sflag:s0] =	ssyncadd.tile.s32 @!p0 $0x1;
	_ =	shalt  }
.Lfunc_end2:
_tile_overlayer_lowered:
.L_overlay_start_2:
0x152: {  	(tag) =	ssettag $0x2  }
0x153: {  	s0 =	rddreg [dreg:$0x0];
	s2 =	stileid.u32  }
0x154: {  	s1 =	rddreg [dreg:$0x1];
	p0 =	sne.s32 s2, $0x0  }
0x155: {  	s3 =	rddreg [dreg:$0x2];
	[bflag:$0x3] =	sbarrier.arrive $0xFFFF;
	s2 =	simm.s32 @!p0 $0x1C03  }
0x156: {  	[timem:s3], [sflag:s2] =	dma.local @!p0 [hbm:s0], s1  }
0x157: {  	s0 =	simm.s32 @!p0 $0x3  }
0x158: {  	_ =	swait.ge @!p0 [sflag:s0], s1  }
0x159: {  	s1 =	ssub.s32 @!p0 $0x0, s1;
	[sflag:s0] =	ssyncset.done @!p0 $0x0  }
0x15a: {  	[sflag:s0] =	ssyncadd.s32 @!p0 s1  }
0x15b: {  	[bflag:$0x3] =	sbarrier.arrive $0xFFFF  }
0x15c: {  	_ =	shalt  }

// kernel: kernel.9.cloned.1.call-start
scs
__scs_entry_jumppad:
0x0: {  	(pc) =	sbr.rel $0x88, $3  }
0x1: {  	(tag) =	ssettag $0x0;
	lr =	simm.s32 $0x1  }
0x2: {  	[smem:$0x3F98] =	sst lr;
	_ =	strace $0xD0000000  }
0x3: {  	_ = 	snop  }
0x4: {  	_ = 	snop  }
0x5: {  	_ = 	snop  }
0x6: {  	_ = 	snop  }
0x7: {  	_ = 	snop  }
__scs_overlays_trampoline_lowered:
0x8: {  	[smem:$0x3FA7] =	sst s0  }
0x9: {  	[smem:$0x3FA8] =	sst s1  }
0xa: {  	[smem:$0x3FA9] =	sst s2  }
0xb: {  	[smem:$0x3FAA] =	sst s3  }
0xc: {  	[smem:$0x3FAB] =	sst s4  }
0xd: {  	[smem:$0x3FAC] =	sst s5  }
0xe: {  	[smem:$0x3FAD] =	sst s6  }
0xf: {  	[smem:$0x3FAE] =	sst s7  }
0x10: {  	[smem:$0x3FAF] =	sst s8  }
0x11: {  	[smem:$0x3FB0] =	sst s9;
	s0 =	simm.s32 @!p0 $0x0  }
0x12: {  	s1 =	sld [smem:$0x3F96];
	s0 =	simm.s32 @p0 $0x1  }
0x13: {  	[smem:$0x3FB1] =	sst s0;
	s0 =	simm.s32 @!p1 $0x0  }
0x14: {  	s2 =	sld [smem:$0x3F95];
	s0 =	simm.s32 @p1 $0x1  }
0x15: {  	[smem:$0x3FB2] =	sst s0;
	s0 =	simm.s32 @!p2 $0x0  }
0x16: {  	s3 =	sld [smem:$0x3FDB];
	s0 =	simm.s32 @p2 $0x1  }
0x17: {  	s4 =	simm.s32 $0x1BF5;
	[smem:$0x3FB4] =	sst s0  }
0x18: {  	s0 =	sld [smem:$0x3F97];
	_ =	swait.ge [sflag:s4], $0x0  }
0x19: {  	s7 =	sld [smem:$0x3F98]  }
0x1a: {  	s8 =	sadd.s32 $0xFFFFE003, lr  }
0x1b: {  	s9 =	sadd.s32 $0xFFFFFEF7, lr;
	s5 =	simm.s32 $0xFFFFFFFF;
	p2 =	slt.u32 s8, $0xFFFFF086  }
0x1c: {  	p1 =	slt.u32 s9, $0xF7A;
	s5 =	simm.s32 @!p2 $0x0  }
0x1d: {  	s5 =	simm.s32 @p1 $0x1;
	p0 =	seq.s32 s7, s2  }
0x1e: {  	s7 =	smul.u32 @!p0 $0xF7A, s2;
	p2 =	seq.s32 @!p0 s5, $0x0  }
0x1f: {  	s9 =	smul.u32 $0xF7A, s1;
	s8 =	simm.s32 @!p0 $0x1BF5;
	p2 =	por !p2, p0  }
0x20: {  	[sflag:s8] =	ssyncset.s32 @!p0 $0xFFFFF086;
	s6 =	sadd.s32 @!p0 s3, s7;
	s7 =	simm.s32 @!p0 $0x108  }
0x21: {  	s3 =	sadd.s32 s3, s9;
	s6 =	sadd.s32 @!p0 $0x88, s6;
	s7 =	simm.s32 @p2 $0x1082  }
0x22: {  	[simem:s7], [sflag:s8] =	dma.local @!p0 [hbm:s6], $0xF7A  }
0x23: {  	s9 =	sor.u32 $0xD0000000, s2;
	s6 =	simm.s32 $0x108;
	_ =	swait.ge @!p0 [sflag:s8], $0x0  }
0x24: {  	s3 =	sadd.s32 $0x88, s3;
	s6 =	simm.s32 @!p1 $0x1082;
	[sflag:s4] =	ssyncset.s32 $0xFFFFF086  }
0x25: {  	[simem:s6], [sflag:s4] =	dma.local [hbm:s3], $0xF7A  }
0x26: {  	[smem:$0x3F98] =	sst s1;
	(tag) =	ssettag s2;
	_ =	strace s9  }
0x27: {  	s1 =	sld [smem:$0x3FA8]  }
0x28: {  	s2 =	sld [smem:$0x3FA9]  }
0x29: {  	s4 =	sld [smem:$0x3FAB]  }
0x2a: {  	p0 =	seq.s32 s5, $0x0;
	s5 =	sld [smem:$0x3FAC]  }
0x2b: {  	s6 =	sld [smem:$0x3FAD]  }
0x2c: {  	s7 =	sld [smem:$0x3FAE]  }
0x2d: {  	s3 =	simm.s32 $0x108;
	s8 =	sld [smem:$0x3FAF]  }
0x2e: {  	s3 =	simm.s32 @!p0 $0x1082;
	s9 =	sld [smem:$0x3FB0]  }
0x2f: {  	lr =	sadd.s32 s0, s3;
	s0 =	sld [smem:$0x3FA7]  }
0x30: {  	s3 =	sld [smem:$0x3FAA]  }
0x31: {  	[smem:$0x3FB3] =	sst s10  }
0x32: {  	s10 =	sld [smem:$0x3FB1];
	_ =	sdelay $0x3  }
0x33: {  	p0 =	seq.s32 s10, $0x1;
	s10 =	sld [smem:$0x3FB3];
	_ =	sdelay $0x3  }
0x34: {  	[smem:$0x3FB3] =	sst s10  }
0x35: {  	s10 =	sld [smem:$0x3FB2];
	_ =	sdelay $0x3  }
0x36: {  	p1 =	seq.s32 s10, $0x1;
	s10 =	sld [smem:$0x3FB3];
	_ =	sdelay $0x3  }
0x37: {  	[smem:$0x3FB3] =	sst s10  }
0x38: {  	s10 =	sld [smem:$0x3FB4]  }
0x39: {  	_ = 	snop;
	(pc) =	sbr.ind lr, $3  }
0x3a: {  	_ = 	snop  }
0x3b: {  	_ = 	snop  }
0x3c: {  	p2 =	seq.s32 s10, $0x1;
	s10 =	sld [smem:$0x3FB3]  }
0x3d: {  	_ =	shalt  }
0x3e: {  	_ =	shalt  }
0x3f: {  	_ =	shalt  }
0x40: {  	_ =	shalt  }
0x41: {  	_ =	shalt  }
0x42: {  	_ =	shalt  }
0x43: {  	_ =	shalt  }
0x44: {  	_ =	shalt  }
0x45: {  	_ =	shalt  }
0x46: {  	_ =	shalt  }
0x47: {  	_ =	shalt  }
0x48: {  	_ =	shalt  }
0x49: {  	_ =	shalt  }
0x4a: {  	_ =	shalt  }
0x4b: {  	_ =	shalt  }
0x4c: {  	_ =	shalt  }
0x4d: {  	_ =	shalt  }
0x4e: {  	_ =	shalt  }
0x4f: {  	_ =	shalt  }
0x50: {  	_ =	shalt  }
0x51: {  	_ =	shalt  }
0x52: {  	_ =	shalt  }
0x53: {  	_ =	shalt  }
0x54: {  	_ =	shalt  }
0x55: {  	_ =	shalt  }
0x56: {  	_ =	shalt  }
0x57: {  	_ =	shalt  }
0x58: {  	_ =	shalt  }
0x59: {  	_ =	shalt  }
0x5a: {  	_ =	shalt  }
0x5b: {  	_ =	shalt  }
0x5c: {  	_ =	shalt  }
0x5d: {  	_ =	shalt  }
0x5e: {  	_ =	shalt  }
0x5f: {  	_ =	shalt  }
0x60: {  	_ =	shalt  }
0x61: {  	_ =	shalt  }
0x62: {  	_ =	shalt  }
0x63: {  	_ =	shalt  }
0x64: {  	_ =	shalt  }
0x65: {  	_ =	shalt  }
0x66: {  	_ =	shalt  }
0x67: {  	_ =	shalt  }
0x68: {  	_ =	shalt  }
0x69: {  	_ =	shalt  }
0x6a: {  	_ =	shalt  }
0x6b: {  	_ =	shalt  }
0x6c: {  	_ =	shalt  }
0x6d: {  	_ =	shalt  }
0x6e: {  	_ =	shalt  }
0x6f: {  	_ =	shalt  }
0x70: {  	_ =	shalt  }
0x71: {  	_ =	shalt  }
0x72: {  	_ =	shalt  }
0x73: {  	_ =	shalt  }
0x74: {  	_ =	shalt  }
0x75: {  	_ =	shalt  }
0x76: {  	_ =	shalt  }
0x77: {  	_ =	shalt  }
0x78: {  	_ =	shalt  }
0x79: {  	_ =	shalt  }
0x7a: {  	_ =	shalt  }
0x7b: {  	_ =	shalt  }
0x7c: {  	_ =	shalt  }
0x7d: {  	_ =	shalt  }
0x7e: {  	_ =	shalt  }
0x7f: {  	_ =	shalt  }
0x80: {  	_ =	shalt  }
0x81: {  	_ =	shalt  }
0x82: {  	_ =	shalt  }
0x83: {  	_ =	shalt  }
0x84: {  	_ =	shalt  }
0x85: {  	_ =	shalt  }
0x86: {  	_ =	shalt  }
0x87: {  	_ =	shalt  }
.Lfunc_end0:
.L_simem_size_0:
called_computation.3_lowered:
.L_overlay_start_0:
0x88: {  	s2 =	sld [smem:$0x3FD9]  }
0x89: {  	s3 =	sld [smem:$0x3FFE];
	_ =	sdelay $0x1  }
0x8a: {  	s1 =	srdreg.scid  }
0x8b: {  	s0 =	sand.u32 $0x1, s1  }
0x8c: {  	s17 =	sshll.u32 s0, $0xA;
	s2 =	sadd.s32 s3, s2  }
0x8d: {  	s2 =	sadd.s32 s2, s17  }
0x8e: {  	[smem:$0x3FBF] =	sst s2  }
0x8f: {  	_ = 	snop  }
0x90: {  	(tm) =	ssettm $0x1  }
0x91: {  	s18 =	sld [smem:$0x3FFB];
	_ =	sdelay $0x3  }
0x92: {  	_ =	strace s18  }
0x93: {  	s2 =	sld [smem:$0x3FFC];
	_ =	sdelay $0x3  }
0x94: {  	_ =	strace s2  }
0x95: {  	s2 =	sld [smem:$0x3FFD];
	_ =	sdelay $0x3  }
0x96: {  	_ =	strace s2  }
0x97: {  	_ =	strace $0x8FFFFFFF  }
0x98: {  	s19 =	sld [smem:$0x3FDB];
	_ =	sdelay $0x1  }
0x99: {  	s20 =	simm.s32 $_scs_section_size  }
0x9a: {  	s4 =	simm.s32 $_size__tile_overlayer_lowered;
	s5 =	simm.s32 $_tile_overlayer_lowered  }
0x9b: {  	s6 =	simm.s32 $0x1BFF;
	s21 =	sshll.u32 s5, $0x1;
	s3 =	sadd.s32 s20, s19  }
0x9c: {  	s22 =	simm.s32 $0x0;
	s4 =	sshll.u32 s4, $0x1;
	s5 =	sadd.s32 s21, s3  }
0x9d: {  	[timem:s22], [sflag:s6] =	dma.local [hbm:s5], s4  }
0x9e: {  	_ =	swait.ge [sflag:s6], s4  }
0x9f: {  	s4 =	ssub.s32 $0x0, s4;
	[sflag:s6] =	ssyncset.done $0x0  }
0xa0: {  	[sflag:s6] =	ssyncadd.s32 s4;
	_ =	sdelay $0x1  }
0xa1: {  	s23 =	simm.s32 $0x1B8B  }
0xa2: {  	_ =	swait.ge [sflag:s23], $0x1  }
0xa3: {  	[sflag:s23] =	ssyncset.done $0x0  }
0xa4: {  	[sflag:s23] =	ssyncadd.s32 $0xFFFFFFFF  }
0xa5: {  	s4 =	sld [smem:$0x0]  }
0xa6: {  	s5 =	sand.u32 $0xFFFFFFFE, s1  }
0xa7: {  	p0 =	sne.s32 s1, s5  }
0xa8: {  	s5 =	sshll.u32 @p0 s5, $0xE  }
0xa9: {  	s5 =	sadd.s32 @p0 $0x11B8D, s5;
	s6 =	sshll.u32 @p0 s4, $0x11  }
0xaa: {  	s5 =	sor.u32 @p0 s6, s5  }
0xab: {  	[sflag:s5] =	ssyncadd.remote.s32 @p0 $0x1;
	_ =	sdelay $0x1  }
0xac: {  	s5 =	simm.s32 @p0 $0x1B8D  }
0xad: {  	_ =	swait.eq @p0 [sflag:s5], $0x1  }
0xae: {  	[sflag:s5] =	ssyncadd.s32 @p0 $0xFFFFFFFF  }
0xaf: {  	s6 =	sshll.u32 @!p0 s1, $0xE  }
0xb0: {  	s6 =	sor.u32 @!p0 $0x4000, s6;
	s5 =	simm.s32 @!p0 $0x1B8D  }
0xb1: {  	s4 =	sshll.u32 @!p0 s4, $0x11;
	s6 =	sadd.s32 @!p0 $0x11B8D, s6;
	_ =	swait.eq @!p0 [sflag:s5], $0x1  }
0xb2: {  	s4 =	sor.u32 @!p0 s4, s6;
	[sflag:s5] =	ssyncadd.s32 @!p0 $0xFFFFFFFF  }
0xb3: {  	s25 =	simm.s32 $0x1B8E;
	s24 =	sld [smem:$0x3FFE];
	[sflag:s4] =	ssyncadd.remote.s32 @!p0 $0x1  }
0xb4: {  	s26 =	simm.s32 $execute0_lowered;
	[smem:$0x3FD2] =	sst s25  }
0xb5: {  	s5 =	sshll.u32 s26, $0x1;
	_ =	strace $0x8000004F;
	[dreg:$0x1] =	wrdreg $0xFFFFFFFF  }
0xb6: {  	s28 =	simm.s32 $_size_execute0_lowered;
	s3 =	sadd.s32 s3, s5;
	[dreg:$0x0] =	wrdreg $0x0  }
0xb7: {  	s5 =	sshll.u32 s28, $0x1;
	[dreg:$0x2] =	wrdreg s3  }
0xb8: {  	[dreg:$0x3] =	wrdreg s5  }
0xb9: {  	[dreg:$0x4] =	wrdreg $0xC0  }
0xba: {  	_ =	task [dreg:s22], $0x5FFFF  }
0xbb: {  	[dreg:$0x1] =	wrdreg $0xFFFFFFFF  }
0xbc: {  	[dreg:$0x0] =	wrdreg $0x60  }
0xbd: {  	[dreg:$0x2] =	wrdreg s24  }
0xbe: {  	[dreg:$0x3] =	wrdreg $0xA  }
0xbf: {  	_ =	task.clear_ibuf [dreg:s22], $0x4FFFF;
	_ =	strace $0x9000004F  }
0xc0: {  	s29 =	simm.s32 $0xA;
	_ =	strace $0x80000051  }
0xc1: {  	_ =	swait.ge [sflag:s29], $0x1  }
0xc2: {  	[sflag:s29] =	ssyncadd.s32 $0xFFFFFFFF  }
0xc3: {  	_ =	strace $0x90000051  }
0xc4: {  	_ =	sfence  }
0xc5: {  	s30 =	sld [smem:$0x0];
	_ =	sdelay $0x2  }
0xc6: {  	s31 =	sshll.u32 s1, $0xD;
	s1 =	sshrl.u32 s1, $0x2  }
0xc7: {  	s4 =	sand.u32 $0x4000, s31;
	s1 =	sadd.s32 s1, s30  }
0xc8: {  	s0 =	sor.u32 s4, s0;
	s1 =	sshll.u32 s1, $0x11  }
0xc9: {  	s0 =	sor.u32 s1, s0  }
0xca: {  	s0 =	sadd.s32 $0x8F2B, s0  }
0xcb: {  	[sflag:s0] =	ssyncadd.remote.s32 $0x1  }
0xcc: {  	_ =	sfence.sel $0xFFFF  }
0xcd: {  	[dreg:$0x0] =	wrdreg $0xFFFFFFFF;
	(pc) =	sbr.abs _section_cstart, $3  }
0xce: {  	[dreg:$0x1] =	wrdreg $0xFFFFFFFF  }
0xcf: {  	_ =	task.clear_ibuf [dreg:s22], $0x2FFFF;
	_ =	strace $0x9FFFFFFF  }
0xd0: {  	(tm) =	ssettm $0x7FFFFFFF  }
0xd1: {  	_ =	shalt  }
tec
execute0_lowered:
.L_overlay_start_1:
0x0: {  	(tag) =	ssettag $0x1  }
0x1: {  	s0 =	rddreg [dreg:$0x0]  }
0x2: {  	s1 =	simm.s32 $0x0;
	s2 =	srdreg.scid;
	s4 =	stileid.u32  }
0x3: {  	s28 =	simm.s32 $0x2900;
	s29 =	simm.s32 $0x3100;
	s30 =	simm.s32 $0x3900  }
0x4: {  	s31 =	simm.s32 $0x4100;
	s11 =	simm.s32 $0x6100;
	s12 =	simm.s32 $0x6900  }
0x5: {  	s13 =	simm.s32 $0x7100;
	s14 =	simm.s32 $0x7900;
	s15 =	simm.s32 $0x80  }
0x6: {  	s16 =	simm.s32 $0x8900;
	s17 =	simm.s32 $0x9100;
	[smem:$0x7FF] =	sst s1  }
0x7: {  	s3 =	sadd.s32 $0xC1A00, s0;
	s2 =	sand.u32 $0x1, s2;
	s5 =	sadd.s32 $0x1000, s0  }
0x8: {  	s4 =	sshll.u32 s4, $0x8;
	s7 =	sadd.s32 $0x1200, s0;
	s6 =	sshll.u32 s2, $0x7  }
0x9: {  	_ =	strace $0x80000050;
	s2 =	ssub.s32 $0x2, s2;
	s6 =	sor.u32 s6, s4  }
0xa: {  	s18 =	sshrl.u32 s2, $0x1;
	s4 =	sadd.s32 $0xC1B00, s0;
	s8 =	sshrl.u32 s6, $0x3  }
0xb: {  	s9 =	sor.u32 $0x20, s6;
	s2 =	ssub.s32 s2, s18;
	s22 =	sshll.u32 s6, $0x7  }
0xc: {  	s10 =	sor.u32 $0x40, s6;
	s6 =	sor.u32 $0x60, s6;
	s18 =	simm.s32 $0x9900  }
0xd: {  	s19 =	sadd.s32 s5, s8;
	s20 =	sshrl.u32 s9, $0x3;
	s8 =	sadd.s32 s7, s22  }
0xe: {  	s23 =	sshrl.u32 s10, $0x3;
	s9 =	sshll.u32 s9, $0x7;
	s25 =	sshrl.u32 s6, $0x3  }
0xf: {  	s26 =	sshll.u32 s10, $0x7;
	s6 =	sshll.u32 s6, $0x7;
	s22 =	simm.s32 $0x900  }
0x10: {  	s10 =	simm.s32 $0x5900;
	[dreg:$0x2] =	wrdreg s19;
	s21 =	sadd.s32 s5, s20  }
0x11: {  	[dreg:$0x4] =	wrdreg s8;
	s8 =	sadd.s32 s5, s23;
	s24 =	sadd.s32 s7, s9  }
0x12: {  	s5 =	sadd.s32 s5, s25;
	s19 =	simm.s32 $0x1;
	[dreg:$0x3] =	wrdreg s21  }
0x13: {  	s20 =	simm.s32 $0x2;
	s23 =	simm.s32 $0x1100;
	[dreg:$0x5] =	wrdreg s8  }
0x14: {  	s25 =	simm.s32 $0x2100;
	s9 =	simm.s32 $0x4900;
	[dreg:$0x6] =	wrdreg s24  }
0x15: {  	[dreg:$0x7] =	wrdreg s5;
	s8 =	sadd.s32 s7, s26;
	s5 =	sadd.s32 $0xC1C00, s0  }
0x16: {  	v2 =	vlaneseq.u32;
	s7 =	sadd.s32 s7, s6;
	s6 =	sadd.s32 $0xC1D00, s0;
	s26 =	simm.s32 $0x100  }
0x17: {  	vm0 =	vmmov $0xffff;
	v1 =	vshrl.u32 v2, $0x3;
	s24 =	simm.s32 $0x1900;
	s0 =	simm.s32 $0x8100;
	[dreg:$0x8] =	wrdreg s8  }
0x18: {  	v0 =	vand.u32 $0x7, v2;
	v2 =	vor.u32 $0x8, v2;
	v1 =	vmul.u32 $0x8, v1;
	[dreg:$0x9] =	wrdreg s7;
	s7 =	smax.u32 s2, $0x1;
	s8 =	simm.s32 $0x3  }
.LBB2_1:
0x19: {  	s21 =	rddreg [dreg:$0x2]  }
0x1a: {  	[tilespmem:s1], [sflag:$0x3] =	stream.linear.gather [hbm4b:s21+s1], $0x20, $0x38;
	[tilespmem:$0x10100] =	vst v63  }
0x1b: {  	_ =	swait.ge [sflag:s8], $0x20  }
0x1c: {  	[sflag:s8] =	ssyncset.done $0x0  }
0x1d: {  	[sflag:s8] =	ssyncadd.s32 $0xFFFFFFE0  }
0x1e: {  	v3 =	vld [tilespmem:$0x0];
	_ =	sdelay $0x4  }
0x1f: {  	v4 =	vshll.u32 v3, $0x3  }
0x20: {  	v3 =	vand.u32 $0x7, v3;
	v4 =	vand.u32 $0xFFFFFFC0, v4  }
0x21: {  	v3 =	vor.u32 v3, v4  }
0x22: {  	v4 =	vperm.xlane v3, v0;
	_ =	sdelay $0x1  }
0x23: {  	v4 =	vadd.s32 v1, v4;
	_ =	sdelay $0x4  }
0x24: {  	[tilespmem:s26], [sflag:$0x1] =	stream.indirect_vreg.gather [hbm4b:s3+s1], $0x80, v4, vm0, $0xb8;
	[tilespmem:$0x10100] =	vst v63  }
0x25: {  	v3 =	vperm.xlane v3, v2  }
0x26: {  	[tilespmem:s22], [sflag:$0x1] =	stream.indirect_vreg.gather [hbm4b:s4+s1], $0x80, v4, vm0, $0xb8;
	[tilespmem:$0x10100] =	vst v63  }
0x27: {  	v3 =	vadd.s32 v1, v3  }
0x28: {  	[tilespmem:s23], [sflag:$0x1] =	stream.indirect_vreg.gather [hbm4b:s5+s1], $0x80, v4, vm0, $0xb8;
	[tilespmem:$0x10100] =	vst v63  }
0x29: {  	_ = 	snop  }
0x2a: {  	[tilespmem:s24], [sflag:$0x1] =	stream.indirect_vreg.gather [hbm4b:s6+s1], $0x80, v4, vm0, $0xb8;
	[tilespmem:$0x10100] =	vst v63  }
0x2b: {  	_ = 	snop  }
0x2c: {  	[tilespmem:s25], [sflag:$0x1] =	stream.indirect_vreg.gather [hbm4b:s3+s1], $0x80, v3, vm0, $0xb8;
	[tilespmem:$0x10100] =	vst v63  }
0x2d: {  	_ = 	snop  }
0x2e: {  	[tilespmem:s28], [sflag:$0x1] =	stream.indirect_vreg.gather [hbm4b:s4+s1], $0x80, v3, vm0, $0xb8;
	[tilespmem:$0x10100] =	vst v63  }
0x2f: {  	_ = 	snop  }
0x30: {  	[tilespmem:s29], [sflag:$0x1] =	stream.indirect_vreg.gather [hbm4b:s5+s1], $0x80, v3, vm0, $0xb8;
	[tilespmem:$0x10100] =	vst v63  }
0x31: {  	_ = 	snop  }
0x32: {  	[tilespmem:s30], [sflag:$0x1] =	stream.indirect_vreg.gather [hbm4b:s6+s1], $0x80, v3, vm0, $0xb8;
	[tilespmem:$0x10100] =	vst v63  }
0x33: {  	v3 =	vld [tilespmem:$0x10];
	_ =	sdelay $0x4  }
0x34: {  	v57 =	vshll.u32 v3, $0x3  }
0x35: {  	v3 =	vand.u32 $0x7, v3;
	v4 =	vand.u32 $0xFFFFFFC0, v57  }
0x36: {  	v3 =	vor.u32 v3, v4  }
0x37: {  	v4 =	vperm.xlane v3, v0;
	_ =	sdelay $0x1  }
0x38: {  	v4 =	vadd.s32 v1, v4;
	_ =	sdelay $0x4  }
0x39: {  	[tilespmem:s31], [sflag:$0x1] =	stream.indirect_vreg.gather [hbm4b:s3+s1], $0x80, v4, vm0, $0xb8;
	[tilespmem:$0x10100] =	vst v63  }
0x3a: {  	v3 =	vperm.xlane v3, v2  }
0x3b: {  	[tilespmem:s9], [sflag:$0x1] =	stream.indirect_vreg.gather [hbm4b:s4+s1], $0x80, v4, vm0, $0xb8;
	[tilespmem:$0x10100] =	vst v63  }
0x3c: {  	s2 =	simm.s32 $0x5100;
	v3 =	vadd.s32 v1, v3  }
0x3d: {  	[tilespmem:s2], [sflag:$0x1] =	stream.indirect_vreg.gather [hbm4b:s5+s1], $0x80, v4, vm0, $0xb8;
	[tilespmem:$0x10100] =	vst v63  }
0x3e: {  	_ = 	snop  }
0x3f: {  	[tilespmem:s10], [sflag:$0x1] =	stream.indirect_vreg.gather [hbm4b:s6+s1], $0x80, v4, vm0, $0xb8;
	[tilespmem:$0x10100] =	vst v63  }
0x40: {  	_ = 	snop  }
0x41: {  	[tilespmem:s11], [sflag:$0x1] =	stream.indirect_vreg.gather [hbm4b:s3+s1], $0x80, v3, vm0, $0xb8;
	[tilespmem:$0x10100] =	vst v63  }
0x42: {  	_ = 	snop  }
0x43: {  	[tilespmem:s12], [sflag:$0x1] =	stream.indirect_vreg.gather [hbm4b:s4+s1], $0x80, v3, vm0, $0xb8;
	[tilespmem:$0x10100] =	vst v63  }
0x44: {  	_ = 	snop  }
0x45: {  	[tilespmem:s13], [sflag:$0x1] =	stream.indirect_vreg.gather [hbm4b:s5+s1], $0x80, v3, vm0, $0xb8;
	[tilespmem:$0x10100] =	vst v63  }
0x46: {  	_ = 	snop  }
0x47: {  	[tilespmem:s14], [sflag:$0x1] =	stream.indirect_vreg.gather [hbm4b:s6+s1], $0x80, v3, vm0, $0xb8;
	[tilespmem:$0x10100] =	vst v63  }
0x48: {  	s21 =	rddreg [dreg:$0x3]  }
0x49: {  	[tilespmem:s15], [sflag:$0x3] =	stream.linear.gather [hbm4b:s21+s1], $0x20, $0x38;
	[tilespmem:$0x10100] =	vst v63  }
0x4a: {  	_ =	swait.ge [sflag:s8], $0x20  }
0x4b: {  	[sflag:s8] =	ssyncset.done $0x0  }
0x4c: {  	[sflag:s8] =	ssyncadd.s32 $0xFFFFFFE0  }
0x4d: {  	v3 =	vld [tilespmem:$0x80];
	_ =	sdelay $0x4  }
0x4e: {  	v58 =	vshll.u32 v3, $0x3  }
0x4f: {  	v3 =	vand.u32 $0x7, v3;
	v4 =	vand.u32 $0xFFFFFFC0, v58  }
0x50: {  	v3 =	vor.u32 v3, v4  }
0x51: {  	v4 =	vperm.xlane v3, v0;
	_ =	sdelay $0x1  }
0x52: {  	v4 =	vadd.s32 v1, v4;
	_ =	sdelay $0x4  }
0x53: {  	[tilespmem:s0], [sflag:$0x2] =	stream.indirect_vreg.gather [hbm4b:s3+s1], $0x80, v4, vm0, $0xb8;
	[tilespmem:$0x10100] =	vst v63  }
0x54: {  	v3 =	vperm.xlane v3, v2  }
0x55: {  	[tilespmem:s16], [sflag:$0x2] =	stream.indirect_vreg.gather [hbm4b:s4+s1], $0x80, v4, vm0, $0xb8;
	[tilespmem:$0x10100] =	vst v63  }
0x56: {  	v3 =	vadd.s32 v1, v3  }
0x57: {  	[tilespmem:s17], [sflag:$0x2] =	stream.indirect_vreg.gather [hbm4b:s5+s1], $0x80, v4, vm0, $0xb8;
	[tilespmem:$0x10100] =	vst v63  }
0x58: {  	_ = 	snop  }
0x59: {  	[tilespmem:s18], [sflag:$0x2] =	stream.indirect_vreg.gather [hbm4b:s6+s1], $0x80, v4, vm0, $0xb8;
	[tilespmem:$0x10100] =	vst v63  }
0x5a: {  	s21 =	simm.s32 $0xA100  }
0x5b: {  	[tilespmem:s21], [sflag:$0x2] =	stream.indirect_vreg.gather [hbm4b:s3+s1], $0x80, v3, vm0, $0xb8;
	[tilespmem:$0x10100] =	vst v63  }
0x5c: {  	s21 =	simm.s32 $0xA900  }
0x5d: {  	[tilespmem:s21], [sflag:$0x2] =	stream.indirect_vreg.gather [hbm4b:s4+s1], $0x80, v3, vm0, $0xb8;
	[tilespmem:$0x10100] =	vst v63  }
0x5e: {  	s21 =	simm.s32 $0xB100  }
0x5f: {  	[tilespmem:s21], [sflag:$0x2] =	stream.indirect_vreg.gather [hbm4b:s5+s1], $0x80, v3, vm0, $0xb8;
	[tilespmem:$0x10100] =	vst v63  }
0x60: {  	s21 =	simm.s32 $0xB900  }
0x61: {  	[tilespmem:s21], [sflag:$0x2] =	stream.indirect_vreg.gather [hbm4b:s6+s1], $0x80, v3, vm0, $0xb8;
	[tilespmem:$0x10100] =	vst v63  }
0x62: {  	v3 =	vld [tilespmem:$0x90];
	_ =	sdelay $0x4  }
0x63: {  	v59 =	vshll.u32 v3, $0x3  }
0x64: {  	v3 =	vand.u32 $0x7, v3;
	v4 =	vand.u32 $0xFFFFFFC0, v59  }
0x65: {  	v3 =	vor.u32 v3, v4  }
0x66: {  	v4 =	vperm.xlane v3, v0;
	_ =	sdelay $0x1  }
0x67: {  	v4 =	vadd.s32 v1, v4;
	_ =	sdelay $0x3  }
0x68: {  	s21 =	simm.s32 $0xC100  }
0x69: {  	[tilespmem:s21], [sflag:$0x2] =	stream.indirect_vreg.gather [hbm4b:s3+s1], $0x80, v4, vm0, $0xb8;
	[tilespmem:$0x10100] =	vst v63  }
0x6a: {  	v3 =	vperm.xlane v3, v2;
	s21 =	simm.s32 $0xC900  }
0x6b: {  	[tilespmem:s21], [sflag:$0x2] =	stream.indirect_vreg.gather [hbm4b:s4+s1], $0x80, v4, vm0, $0xb8;
	[tilespmem:$0x10100] =	vst v63  }
0x6c: {  	v3 =	vadd.s32 v1, v3;
	s21 =	simm.s32 $0xD100  }
0x6d: {  	[tilespmem:s21], [sflag:$0x2] =	stream.indirect_vreg.gather [hbm4b:s5+s1], $0x80, v4, vm0, $0xb8;
	[tilespmem:$0x10100] =	vst v63  }
0x6e: {  	s21 =	simm.s32 $0xD900  }
0x6f: {  	[tilespmem:s21], [sflag:$0x2] =	stream.indirect_vreg.gather [hbm4b:s6+s1], $0x80, v4, vm0, $0xb8;
	[tilespmem:$0x10100] =	vst v63  }
0x70: {  	s21 =	simm.s32 $0xE100  }
0x71: {  	[tilespmem:s21], [sflag:$0x2] =	stream.indirect_vreg.gather [hbm4b:s3+s1], $0x80, v3, vm0, $0xb8;
	[tilespmem:$0x10100] =	vst v63  }
0x72: {  	s21 =	simm.s32 $0xE900  }
0x73: {  	[tilespmem:s21], [sflag:$0x2] =	stream.indirect_vreg.gather [hbm4b:s4+s1], $0x80, v3, vm0, $0xb8;
	[tilespmem:$0x10100] =	vst v63  }
0x74: {  	s21 =	simm.s32 $0xF100  }
0x75: {  	[tilespmem:s21], [sflag:$0x2] =	stream.indirect_vreg.gather [hbm4b:s5+s1], $0x80, v3, vm0, $0xb8;
	[tilespmem:$0x10100] =	vst v63  }
0x76: {  	s21 =	simm.s32 $0xF900  }
0x77: {  	[tilespmem:s21], [sflag:$0x2] =	stream.indirect_vreg.gather [hbm4b:s6+s1], $0x80, v3, vm0, $0xb8;
	[tilespmem:$0x10100] =	vst v63  }
0x78: {  	_ =	swait.ge [sflag:s19], $0x8000  }
0x79: {  	[sflag:s19] =	ssyncset.done $0x0  }
0x7a: {  	s21 =	rddreg [dreg:$0x4];
	[sflag:s19] =	ssyncadd.s32 $0xFFFF8000  }
0x7b: {  	[hbm4b:s21+s1] =	stream.linear.scatter [tilespmem:s26], [sflag:$0x3], $0x8000, $0x38;
	[tilespmem:$0x10100] =	vst v63  }
0x7c: {  	_ =	swait.ge [sflag:s8], $0x8000  }
0x7d: {  	[sflag:s8] =	ssyncset.done $0x0  }
0x7e: {  	s21 =	rddreg [dreg:$0x5];
	[sflag:s8] =	ssyncadd.s32 $0xFFFF8000  }
0x7f: {  	[tilespmem:s1], [sflag:$0x3] =	stream.linear.gather [hbm4b:s21+s1], $0x20, $0x38;
	[tilespmem:$0x10100] =	vst v63  }
0x80: {  	_ =	swait.ge [sflag:s8], $0x20  }
0x81: {  	[sflag:s8] =	ssyncset.done $0x0  }
0x82: {  	[sflag:s8] =	ssyncadd.s32 $0xFFFFFFE0  }
0x83: {  	v3 =	vld [tilespmem:$0x0];
	_ =	sdelay $0x4  }
0x84: {  	v60 =	vshll.u32 v3, $0x3  }
0x85: {  	v3 =	vand.u32 $0x7, v3;
	v4 =	vand.u32 $0xFFFFFFC0, v60  }
0x86: {  	v3 =	vor.u32 v3, v4  }
0x87: {  	v4 =	vperm.xlane v3, v0;
	_ =	sdelay $0x1  }
0x88: {  	v4 =	vadd.s32 v1, v4;
	_ =	sdelay $0x4  }
0x89: {  	[tilespmem:s26], [sflag:$0x1] =	stream.indirect_vreg.gather [hbm4b:s3+s1], $0x80, v4, vm0, $0xb8;
	[tilespmem:$0x10100] =	vst v63  }
0x8a: {  	v3 =	vperm.xlane v3, v2  }
0x8b: {  	[tilespmem:s22], [sflag:$0x1] =	stream.indirect_vreg.gather [hbm4b:s4+s1], $0x80, v4, vm0, $0xb8;
	[tilespmem:$0x10100] =	vst v63  }
0x8c: {  	v3 =	vadd.s32 v1, v3  }
0x8d: {  	[tilespmem:s23], [sflag:$0x1] =	stream.indirect_vreg.gather [hbm4b:s5+s1], $0x80, v4, vm0, $0xb8;
	[tilespmem:$0x10100] =	vst v63  }
0x8e: {  	_ = 	snop  }
0x8f: {  	[tilespmem:s24], [sflag:$0x1] =	stream.indirect_vreg.gather [hbm4b:s6+s1], $0x80, v4, vm0, $0xb8;
	[tilespmem:$0x10100] =	vst v63  }
0x90: {  	_ = 	snop  }
0x91: {  	[tilespmem:s25], [sflag:$0x1] =	stream.indirect_vreg.gather [hbm4b:s3+s1], $0x80, v3, vm0, $0xb8;
	[tilespmem:$0x10100] =	vst v63  }
0x92: {  	_ = 	snop  }
0x93: {  	[tilespmem:s28], [sflag:$0x1] =	stream.indirect_vreg.gather [hbm4b:s4+s1], $0x80, v3, vm0, $0xb8;
	[tilespmem:$0x10100] =	vst v63  }
0x94: {  	_ = 	snop  }
0x95: {  	[tilespmem:s29], [sflag:$0x1] =	stream.indirect_vreg.gather [hbm4b:s5+s1], $0x80, v3, vm0, $0xb8;
	[tilespmem:$0x10100] =	vst v63  }
0x96: {  	_ = 	snop  }
0x97: {  	[tilespmem:s30], [sflag:$0x1] =	stream.indirect_vreg.gather [hbm4b:s6+s1], $0x80, v3, vm0, $0xb8;
	[tilespmem:$0x10100] =	vst v63  }
0x98: {  	v3 =	vld [tilespmem:$0x10];
	_ =	sdelay $0x4  }
0x99: {  	v61 =	vshll.u32 v3, $0x3  }
0x9a: {  	v3 =	vand.u32 $0x7, v3;
	v4 =	vand.u32 $0xFFFFFFC0, v61  }
0x9b: {  	v3 =	vor.u32 v3, v4  }
0x9c: {  	v4 =	vperm.xlane v3, v0;
	_ =	sdelay $0x1  }
0x9d: {  	v4 =	vadd.s32 v1, v4;
	_ =	sdelay $0x4  }
0x9e: {  	[tilespmem:s31], [sflag:$0x1] =	stream.indirect_vreg.gather [hbm4b:s3+s1], $0x80, v4, vm0, $0xb8;
	[tilespmem:$0x10100] =	vst v63  }
0x9f: {  	v3 =	vperm.xlane v3, v2  }
0xa0: {  	[tilespmem:s9], [sflag:$0x1] =	stream.indirect_vreg.gather [hbm4b:s4+s1], $0x80, v4, vm0, $0xb8;
	[tilespmem:$0x10100] =	vst v63  }
0xa1: {  	v3 =	vadd.s32 v1, v3  }
0xa2: {  	[tilespmem:s2], [sflag:$0x1] =	stream.indirect_vreg.gather [hbm4b:s5+s1], $0x80, v4, vm0, $0xb8;
	[tilespmem:$0x10100] =	vst v63  }
0xa3: {  	_ = 	snop  }
0xa4: {  	[tilespmem:s10], [sflag:$0x1] =	stream.indirect_vreg.gather [hbm4b:s6+s1], $0x80, v4, vm0, $0xb8;
	[tilespmem:$0x10100] =	vst v63  }
0xa5: {  	_ = 	snop  }
0xa6: {  	[tilespmem:s11], [sflag:$0x1] =	stream.indirect_vreg.gather [hbm4b:s3+s1], $0x80, v3, vm0, $0xb8;
	[tilespmem:$0x10100] =	vst v63  }
0xa7: {  	_ = 	snop  }
0xa8: {  	[tilespmem:s12], [sflag:$0x1] =	stream.indirect_vreg.gather [hbm4b:s4+s1], $0x80, v3, vm0, $0xb8;
	[tilespmem:$0x10100] =	vst v63  }
0xa9: {  	_ = 	snop  }
0xaa: {  	[tilespmem:s13], [sflag:$0x1] =	stream.indirect_vreg.gather [hbm4b:s5+s1], $0x80, v3, vm0, $0xb8;
	[tilespmem:$0x10100] =	vst v63  }
0xab: {  	_ = 	snop  }
0xac: {  	[tilespmem:s14], [sflag:$0x1] =	stream.indirect_vreg.gather [hbm4b:s6+s1], $0x80, v3, vm0, $0xb8;
	[tilespmem:$0x10100] =	vst v63  }
0xad: {  	_ =	swait.ge [sflag:s20], $0x8000  }
0xae: {  	[sflag:s20] =	ssyncset.done $0x0  }
0xaf: {  	s2 =	rddreg [dreg:$0x6];
	[sflag:s20] =	ssyncadd.s32 $0xFFFF8000  }
0xb0: {  	[hbm4b:s2+s1] =	stream.linear.scatter [tilespmem:s0], [sflag:$0x3], $0x8000, $0x38;
	[tilespmem:$0x10100] =	vst v63  }
0xb1: {  	_ =	swait.ge [sflag:s8], $0x8000  }
0xb2: {  	[sflag:s8] =	ssyncset.done $0x0  }
0xb3: {  	s2 =	rddreg [dreg:$0x7];
	[sflag:s8] =	ssyncadd.s32 $0xFFFF8000  }
0xb4: {  	[tilespmem:s15], [sflag:$0x3] =	stream.linear.gather [hbm4b:s2+s1], $0x20, $0x38;
	[tilespmem:$0x10100] =	vst v63  }
0xb5: {  	_ =	swait.ge [sflag:s8], $0x20  }
0xb6: {  	[sflag:s8] =	ssyncset.done $0x0  }
0xb7: {  	[sflag:s8] =	ssyncadd.s32 $0xFFFFFFE0  }
0xb8: {  	v3 =	vld [tilespmem:$0x80];
	_ =	sdelay $0x4  }
0xb9: {  	v62 =	vshll.u32 v3, $0x3  }
0xba: {  	v3 =	vand.u32 $0x7, v3;
	v4 =	vand.u32 $0xFFFFFFC0, v62  }
0xbb: {  	v3 =	vor.u32 v3, v4  }
0xbc: {  	v4 =	vperm.xlane v3, v0;
	_ =	sdelay $0x1  }
0xbd: {  	v4 =	vadd.s32 v1, v4;
	_ =	sdelay $0x4  }
0xbe: {  	[tilespmem:s0], [sflag:$0x2] =	stream.indirect_vreg.gather [hbm4b:s3+s1], $0x80, v4, vm0, $0xb8;
	[tilespmem:$0x10100] =	vst v63  }
0xbf: {  	v3 =	vperm.xlane v3, v2  }
0xc0: {  	[tilespmem:s16], [sflag:$0x2] =	stream.indirect_vreg.gather [hbm4b:s4+s1], $0x80, v4, vm0, $0xb8;
	[tilespmem:$0x10100] =	vst v63  }
0xc1: {  	v3 =	vadd.s32 v1, v3  }
0xc2: {  	[tilespmem:s17], [sflag:$0x2] =	stream.indirect_vreg.gather [hbm4b:s5+s1], $0x80, v4, vm0, $0xb8;
	[tilespmem:$0x10100] =	vst v63  }
0xc3: {  	_ = 	snop  }
0xc4: {  	[tilespmem:s18], [sflag:$0x2] =	stream.indirect_vreg.gather [hbm4b:s6+s1], $0x80, v4, vm0, $0xb8;
	[tilespmem:$0x10100] =	vst v63  }
0xc5: {  	s21 =	simm.s32 $0xA100  }
0xc6: {  	[tilespmem:s21], [sflag:$0x2] =	stream.indirect_vreg.gather [hbm4b:s3+s1], $0x80, v3, vm0, $0xb8;
	[tilespmem:$0x10100] =	vst v63  }
0xc7: {  	s21 =	simm.s32 $0xA900  }
0xc8: {  	[tilespmem:s21], [sflag:$0x2] =	stream.indirect_vreg.gather [hbm4b:s4+s1], $0x80, v3, vm0, $0xb8;
	[tilespmem:$0x10100] =	vst v63  }
0xc9: {  	s21 =	simm.s32 $0xB100  }
0xca: {  	[tilespmem:s21], [sflag:$0x2] =	stream.indirect_vreg.gather [hbm4b:s5+s1], $0x80, v3, vm0, $0xb8;
	[tilespmem:$0x10100] =	vst v63  }
0xcb: {  	s21 =	simm.s32 $0xB900  }
0xcc: {  	[tilespmem:s21], [sflag:$0x2] =	stream.indirect_vreg.gather [hbm4b:s6+s1], $0x80, v3, vm0, $0xb8;
	[tilespmem:$0x10100] =	vst v63  }
0xcd: {  	v3 =	vld [tilespmem:$0x90];
	_ =	sdelay $0x4  }
0xce: {  	v63 =	vshll.u32 v3, $0x3  }
0xcf: {  	v3 =	vand.u32 $0x7, v3;
	v4 =	vand.u32 $0xFFFFFFC0, v63  }
0xd0: {  	v3 =	vor.u32 v3, v4  }
0xd1: {  	v4 =	vperm.xlane v3, v0;
	_ =	sdelay $0x1  }
0xd2: {  	v4 =	vadd.s32 v1, v4;
	_ =	sdelay $0x3  }
0xd3: {  	s21 =	simm.s32 $0xC100  }
0xd4: {  	[tilespmem:s21], [sflag:$0x2] =	stream.indirect_vreg.gather [hbm4b:s3+s1], $0x80, v4, vm0, $0xb8;
	[tilespmem:$0x10100] =	vst v63  }
0xd5: {  	v3 =	vperm.xlane v3, v2;
	s21 =	simm.s32 $0xC900  }
0xd6: {  	[tilespmem:s21], [sflag:$0x2] =	stream.indirect_vreg.gather [hbm4b:s4+s1], $0x80, v4, vm0, $0xb8;
	[tilespmem:$0x10100] =	vst v63  }
0xd7: {  	v3 =	vadd.s32 v1, v3;
	s21 =	simm.s32 $0xD100  }
0xd8: {  	[tilespmem:s21], [sflag:$0x2] =	stream.indirect_vreg.gather [hbm4b:s5+s1], $0x80, v4, vm0, $0xb8;
	[tilespmem:$0x10100] =	vst v63  }
0xd9: {  	s21 =	simm.s32 $0xD900  }
0xda: {  	[tilespmem:s21], [sflag:$0x2] =	stream.indirect_vreg.gather [hbm4b:s6+s1], $0x80, v4, vm0, $0xb8;
	[tilespmem:$0x10100] =	vst v63  }
0xdb: {  	s21 =	simm.s32 $0xE100  }
0xdc: {  	[tilespmem:s21], [sflag:$0x2] =	stream.indirect_vreg.gather [hbm4b:s3+s1], $0x80, v3, vm0, $0xb8;
	[tilespmem:$0x10100] =	vst v63  }
0xdd: {  	s21 =	simm.s32 $0xE900  }
0xde: {  	[tilespmem:s21], [sflag:$0x2] =	stream.indirect_vreg.gather [hbm4b:s4+s1], $0x80, v3, vm0, $0xb8;
	[tilespmem:$0x10100] =	vst v63  }
0xdf: {  	s21 =	simm.s32 $0xF100  }
0xe0: {  	[tilespmem:s21], [sflag:$0x2] =	stream.indirect_vreg.gather [hbm4b:s5+s1], $0x80, v3, vm0, $0xb8;
	[tilespmem:$0x10100] =	vst v63  }
0xe1: {  	s21 =	simm.s32 $0xF900  }
0xe2: {  	[tilespmem:s21], [sflag:$0x2] =	stream.indirect_vreg.gather [hbm4b:s6+s1], $0x80, v3, vm0, $0xb8;
	[tilespmem:$0x10100] =	vst v63  }
0xe3: {  	_ =	swait.ge [sflag:s19], $0x8000  }
0xe4: {  	[sflag:s19] =	ssyncset.done $0x0  }
0xe5: {  	s2 =	rddreg [dreg:$0x8];
	[sflag:s19] =	ssyncadd.s32 $0xFFFF8000  }
0xe6: {  	[hbm4b:s2+s1] =	stream.linear.scatter [tilespmem:s26], [sflag:$0x3], $0x8000, $0x38;
	[tilespmem:$0x10100] =	vst v63  }
0xe7: {  	_ =	swait.ge [sflag:s8], $0x8000  }
0xe8: {  	[sflag:s8] =	ssyncset.done $0x0  }
0xe9: {  	[sflag:s8] =	ssyncadd.s32 $0xFFFF8000  }
0xea: {  	_ =	swait.ge [sflag:s20], $0x8000  }
0xeb: {  	p0 =	sne.s32 s7, $0x1;
	[sflag:s20] =	ssyncset.done $0x0  }
.Ltmp0:
0xec: {  	s2 =	rddreg [dreg:$0x9];
	[sflag:s20] =	ssyncadd.s32 $0xFFFF8000;
	(pc) =	sbr.rel @p0 .LBB2_1-.Ltmp0, $4  }
0xed: {  	[hbm4b:s2+s1] =	stream.linear.scatter [tilespmem:s0], [sflag:$0x3], $0x8000, $0x38;
	[tilespmem:$0x10100] =	vst v63  }
0xee: {  	_ =	swait.ge [sflag:s8], $0x8000  }
0xef: {  	[sflag:s8] =	ssyncset.done $0x0  }
0xf0: {  	s7 =	sadd.s32 $0xFFFFFFFF, s7;
	[sflag:s8] =	ssyncadd.s32 $0xFFFF8000  }
0xf1: {  	_ =	sfence.sel $0x180000  }
0xf2: {  	[bflag:$0x0] =	sbarrier.arrive $0xFFFF  }
0xf3: {  	_ =	strace $0x90000050  }
0xf4: {  	s0 =	stileid.u32;
	[bflag:$0x2] =	sbarrier.arrive $0xFFFF  }
0xf5: {  	p0 =	sne.s32 s0, $0x0;
	s0 =	rddreg [dreg:$0x1]  }
0xf6: {  	s0 =	sadd.s32 @!p0 $0x100000, s0  }
0xf7: {  	[sflag:s0] =	ssyncadd.tile.s32 @!p0 $0x1;
	_ =	shalt  }
.Lfunc_end2:
_tile_overlayer_lowered:
.L_overlay_start_2:
0xf8: {  	(tag) =	ssettag $0x2  }
0xf9: {  	s0 =	rddreg [dreg:$0x0];
	s2 =	stileid.u32  }
0xfa: {  	s1 =	rddreg [dreg:$0x1];
	p0 =	sne.s32 s2, $0x0  }
0xfb: {  	s3 =	rddreg [dreg:$0x2];
	[bflag:$0x3] =	sbarrier.arrive $0xFFFF;
	s2 =	simm.s32 @!p0 $0x1C03  }
0xfc: {  	[timem:s3], [sflag:s2] =	dma.local @!p0 [hbm:s0], s1  }
0xfd: {  	s0 =	simm.s32 @!p0 $0x3  }
0xfe: {  	_ =	swait.ge @!p0 [sflag:s0], s1  }
0xff: {  	s1 =	ssub.s32 @!p0 $0x0, s1;
	[sflag:s0] =	ssyncset.done @!p0 $0x0  }
0x100: {  	[sflag:s0] =	ssyncadd.s32 @!p0 s1  }
0x101: {  	[bflag:$0x3] =	sbarrier.arrive $0xFFFF  }
0x102: {  	_ =	shalt  }

</sc_bundles>
